<compile_context>
chip_gen: v7x
topology: tpu7x:2x2x1
jax: 0.10.2.dev20260603
libtpu: 0.0.44.dev20260713+nightly
codegen_flags: <defaults>
</compile_context>

<pallas_src>
import functools

import jax
import jax.numpy as jnp
from jax import lax
from jax.experimental import pallas as pl
from jax.experimental.pallas import tpu as pltpu
from jax.experimental.pallas import tpu_sc as plsc

B, T, N = 16, 2048, 64


TC_CHUNK = 128
GRID = T // TC_CHUNK // 2
RENORM = 8


def _fwd_body(len_ref, emf_ref, emb_ref, trans_ref, transT_ref, start_ref,
              end_ref, out_ref, pf_ref, cf_ref, pb_ref, cb_ref,
              gf_ref, gb_ref):
    i = pl.program_id(0)
    expT = jnp.exp(trans_ref[...]).astype(jnp.bfloat16)
    expTT = jnp.exp(transT_ref[...]).astype(jnp.bfloat16)
    lens = len_ref[...]
    lens_full = jnp.broadcast_to(lens, (B, N))

    gf_ref[...] = jnp.exp(emf_ref[...])
    gb_ref[...] = jnp.exp(emb_ref[...])

    @pl.when(i == 0)
    def _init():
        em0 = emf_ref[:, 0, :]
        a0 = start_ref[0:1, :] + em0
        m0 = jnp.max(a0, axis=1, keepdims=True)
        pf_ref[...] = jnp.exp(a0 - m0)
        cf_ref[...] = jnp.broadcast_to(m0, (B, N))
        e0 = jnp.broadcast_to(end_ref[0:1, :], (B, N))
        mb = jnp.max(e0, axis=1, keepdims=True)
        pb_ref[...] = jnp.exp(e0 - mb)
        cb_ref[...] = jnp.broadcast_to(mb, (B, N))

    base_f = i * TC_CHUNK
    base_b = T - (i + 1) * TC_CHUNK

    def window(w, carry):
        pf, cf, pb, cb = carry
        for k in range(RENORM):
            tt = w * RENORM + k
            tb = TC_CHUNK - 1 - tt
            t_f = base_f + tt
            t_b = base_b + tb
            gf = gf_ref[:, tt, :]
            gb = gb_ref[:, tb, :]
            kf = jnp.logical_and(t_f >= 1, t_f < lens_full)
            kb = t_b < lens_full
            qf = lax.dot_general(pf.astype(jnp.bfloat16), expT,
                                 (((1,), (0,)), ((), ())),
                                 preferred_element_type=jnp.float32)
            qb = lax.dot_general((pb * gb).astype(jnp.bfloat16),
                                 expTT, (((1,), (0,)), ((), ())),
                                 preferred_element_type=jnp.float32)
            qf = qf * gf
            pf = jnp.where(kf, qf, pf)
            pb = jnp.where(kb, qb, pb)
        sf = jnp.max(pf, axis=1, keepdims=True)
        cf = cf + jnp.log(sf)
        pf = pf * (1.0 / sf)
        sb = jnp.max(pb, axis=1, keepdims=True)
        cb = cb + jnp.log(sb)
        pb = pb * (1.0 / sb)
        return pf, cf, pb, cb

    def window2(u, carry):
        return window(2 * u + 1, window(2 * u, carry))

    pf, cf, pb, cb = lax.fori_loop(
        0, TC_CHUNK // RENORM // 2, window2,
        (pf_ref[...], cf_ref[...], pb_ref[...], cb_ref[...]))
    pf_ref[...] = pf
    cf_ref[...] = cf
    pb_ref[...] = pb
    cb_ref[...] = cb

    @pl.when(i == GRID - 1)
    def _fin():
        s = jnp.sum(pf * pb, axis=1, keepdims=True)
        out_ref[...] = jnp.broadcast_to(
            cf[:, 0:1] + cb[:, 0:1] + jnp.log(s), (B, 128))


def _log_partitions(emissions, transitions, start_transitions, end_transitions, lengths):
    lens2 = lengths.reshape(B, 1).astype(jnp.int32)
    start2 = jnp.broadcast_to(start_transitions[None, :], (8, N))
    end2 = jnp.broadcast_to(end_transitions[None, :], (8, N))
    out = pl.pallas_call(
        _fwd_body,
        grid=(GRID,),
        in_specs=[
            pl.BlockSpec((B, 1), lambda i: (0, 0)),
            pl.BlockSpec((B, TC_CHUNK, N), lambda i: (0, i, 0)),
            pl.BlockSpec((B, TC_CHUNK, N), lambda i: (0, 2 * GRID - 1 - i, 0)),
            pl.BlockSpec((N, N), lambda i: (0, 0)),
            pl.BlockSpec((N, N), lambda i: (0, 0)),
            pl.BlockSpec((8, N), lambda i: (0, 0)),
            pl.BlockSpec((8, N), lambda i: (0, 0)),
        ],
        out_specs=pl.BlockSpec((B, 128), lambda i: (0, 0)),
        out_shape=jax.ShapeDtypeStruct((B, 128), jnp.float32),
        scratch_shapes=[
            pltpu.VMEM((B, N), jnp.float32),
            pltpu.VMEM((B, N), jnp.float32),
            pltpu.VMEM((B, N), jnp.float32),
            pltpu.VMEM((B, N), jnp.float32),
            pltpu.VMEM((B, TC_CHUNK, N), jnp.float32),
            pltpu.VMEM((B, TC_CHUNK, N), jnp.float32),
        ],
    )(lens2, emissions, emissions, transitions, transitions.T,
      start2, end2)
    return out[:, 0]



SC_CHUNK = 512


def _scores_body(em_hbm, tags_hbm, trans_hbm, start_hbm, end_hbm, len_hbm,
                 out_hbm, tags_v, em_v, trans_v, start_v, end_v, len_v, out_v):
    cid = lax.axis_index("c")
    sid = lax.axis_index("s")
    wid = sid * 2 + cid

    @pl.when(wid < B)
    def _():
        b = wid
        pltpu.sync_copy(tags_hbm.at[pl.ds(b * T, T)], tags_v)
        pltpu.sync_copy(trans_hbm, trans_v)
        pltpu.sync_copy(start_hbm, start_v.at[pl.ds(0, N)])
        pltpu.sync_copy(end_hbm, end_v.at[pl.ds(0, N)])
        pltpu.sync_copy(len_hbm, len_v)
        lane = lax.iota(jnp.int32, 16)
        lvf = len_v[...].astype(jnp.float32)
        len_scalar = jnp.sum(jnp.where(lane == b, lvf, 0.0)).astype(jnp.int32)
        len_vec = jnp.full((16,), len_scalar, jnp.int32)

        acc = jnp.zeros((16,), jnp.float32)
        for chunk in range(T // SC_CHUNK):
            pltpu.sync_copy(
                em_hbm.at[pl.ds((b * T + chunk * SC_CHUNK) * N, SC_CHUNK * N)],
                em_v)

            def inner(j, acc, _chunk=chunk):
                tl = j * 16 + lane
                tg = _chunk * SC_CHUNK + tl
                cur = plsc.load_gather(tags_v, [tg])
                prev = plsc.load_gather(tags_v, [jnp.maximum(tg - 1, 0)])
                ev = plsc.load_gather(em_v, [tl * N + cur])
                tv = plsc.load_gather(trans_v, [prev * N + cur])
                m = tg < len_vec
                mt = jnp.logical_and(m, tg >= 1)
                return (acc + jnp.where(m, ev, 0.0) + jnp.where(mt, tv, 0.0))

            acc = lax.fori_loop(0, SC_CHUNK // 16, inner, acc)

        tag0 = plsc.load_gather(tags_v, [jnp.zeros((16,), jnp.int32)])
        sv = plsc.load_gather(start_v, [tag0])
        lastt = plsc.load_gather(tags_v, [len_vec - 1])
        evv = plsc.load_gather(end_v, [lastt])
        acc = acc + jnp.where(lane == 0, sv + evv, 0.0)

        out_v[...] = jnp.full((16,), jnp.sum(acc))
        pltpu.sync_copy(out_v, out_hbm.at[pl.ds(b * 16, 16)])


@functools.cache
def _scores_kernel():
    return pl.kernel(
        _scores_body,
        out_type=jax.ShapeDtypeStruct((B * 16,), jnp.float32),
        mesh=plsc.VectorSubcoreMesh(core_axis_name="c", subcore_axis_name="s"),
        compiler_params=pltpu.CompilerParams(needs_layout_passes=False),
        scratch_types=[
            pltpu.VMEM((T,), jnp.int32),
            pltpu.VMEM((SC_CHUNK * N,), jnp.float32),
            pltpu.VMEM((N * N,), jnp.float32),
            pltpu.VMEM((128,), jnp.float32),
            pltpu.VMEM((128,), jnp.float32),
            pltpu.VMEM((16,), jnp.int32),
            pltpu.VMEM((16,), jnp.float32),
        ],
    )


def _log_scores(emissions, transitions, start_transitions, end_transitions, tags, lengths):
    out = _scores_kernel()(
        emissions.reshape(-1),
        tags.reshape(-1).astype(jnp.int32),
        transitions.reshape(-1),
        start_transitions,
        end_transitions,
        lengths.astype(jnp.int32),
    )
    return out.reshape(B, 16)[:, 0]


def kernel(emissions, transitions, start_transitions, end_transitions, tags, lengths):
    score = _log_scores(emissions, transitions, start_transitions,
                        end_transitions, tags, lengths)
    logz = _log_partitions(emissions, transitions, start_transitions,
                           end_transitions, lengths)
    return score - logz

# --- scband reference (transcript-rebuilt; emitter-appended) ---
"""Pipeline reference for scband-crf-decoder-abc-87625922773378 (READ-ONLY COPY).

The authoritative reference and input builder live on the scoring server;
editing this copy changes nothing except your own understanding.
"""

import jax, jax.numpy as jnp
import numpy as np

B, T, N = 16, 2048, 64

def setup_inputs(seed: int = 0) -> dict:
    key = jax.random.key(seed)
    k1, k2, k3, k4, k5, k6 = jax.random.split(key, 6)
    emissions = jax.random.normal(k1, (B, T, N), dtype=jnp.float32)
    tags = jax.random.randint(k2, (B, T), 0, N)
    lengths = jax.random.randint(k3, (B,), 1, T + 1).astype(jnp.int32)
    transitions = jax.random.normal(k4, (N, N), dtype=jnp.float32) * 0.01
    start_transitions = jax.random.normal(k5, (N,), dtype=jnp.float32) * 0.01
    end_transitions = jax.random.normal(k6, (N,), dtype=jnp.float32) * 0.01
    return {
        'emissions': emissions,
        'transitions': transitions,
        'start_transitions': start_transitions,
        'end_transitions': end_transitions,
        'tags': tags,
        'lengths': lengths,
    }


def reference(emissions, transitions, start_transitions, end_transitions, tags, lengths):
    # CrfDecoderABC.fit: dist.log_prob(tags) = log_scores(tags) - log_partitions
    # emissions: [B, T, N] dense-padded ragged sequences, lengths: [B]
    Bv, Tv, Nv = emissions.shape
    t_idx = jnp.arange(Tv)
    mask = t_idx[None, :] < lengths[:, None]  # [B, T] valid-token mask

    # ---- compute_log_scores ----
    em_sc = jnp.take_along_axis(emissions, tags[..., None], axis=-1)[..., 0]  # [B, T]
    prev = tags[:, :-1]
    cur = tags[:, 1:]
    trans_sc = transitions[prev, cur]  # [B, T-1]
    score = jnp.where(mask, em_sc, 0.0).sum(axis=-1)
    score = score + jnp.where(mask[:, 1:], trans_sc, 0.0).sum(axis=-1)
    score = score + start_transitions[tags[:, 0]]
    last_tag = jnp.take_along_axis(tags, (lengths - 1)[:, None].astype(jnp.int32), axis=1)[:, 0]
    score = score + end_transitions[last_tag]

    # ---- compute_log_partitions (log-semiring tree/linear reduce == forward algorithm) ----
    alpha0 = start_transitions[None, :] + emissions[:, 0]  # [B, N]

    def step(alpha, xs):
        em_t, m_t = xs  # [B, N], [B]
        new = jax.nn.logsumexp(alpha[:, :, None] + transitions[None, :, :], axis=1) + em_t
        alpha = jnp.where(m_t[:, None], new, alpha)
        return alpha, None

    xs = (jnp.moveaxis(emissions[:, 1:], 1, 0), jnp.moveaxis(mask[:, 1:], 1, 0))
    alpha, _ = jax.lax.scan(step, alpha0, xs)
    log_partitions = jax.nn.logsumexp(alpha + end_transitions[None, :], axis=-1)  # [B]

    return score - log_partitions  # log_prob per sequence, [B]

if __name__ == "__main__":
    import jax
    _d = setup_inputs()
    print(jax.jit(kernel)(*tuple(_d.values())))

</pallas_src>

<mosaic_0001>
#map = affine_map<(d0, d1) -> (0)>
module attributes {stable_mosaic.version = 14 : i64} {
  func.func @_scores_body(%arg0: i32, %arg1: i32, %arg2: memref<2097152xf32, #tpu.memory_space<hbm>>, %arg3: memref<32768xi32, #tpu.memory_space<hbm>>, %arg4: memref<4096xf32, #tpu.memory_space<hbm>>, %arg5: memref<64xf32, #tpu.memory_space<hbm>>, %arg6: memref<64xf32, #tpu.memory_space<hbm>>, %arg7: memref<16xi32, #tpu.memory_space<hbm>>, %arg8: memref<256xf32, #tpu.memory_space<hbm>>, %arg9: memref<2048xi32, #tpu.memory_space<vmem>>, %arg10: memref<32768xf32, #tpu.memory_space<vmem>>, %arg11: memref<4096xf32, #tpu.memory_space<vmem>>, %arg12: memref<128xf32, #tpu.memory_space<vmem>>, %arg13: memref<128xf32, #tpu.memory_space<vmem>>, %arg14: memref<16xi32, #tpu.memory_space<vmem>>, %arg15: memref<16xf32, #tpu.memory_space<vmem>>) attributes {dimension_semantics = [#tpu.dimension_semantics<core_parallel>, #tpu.dimension_semantics<subcore_parallel>], iteration_bounds = array<i64: 2, 16>, scalar_prefetch = 0 : i64, scratch_operands = 7 : i64, tpu.core_type = #tpu.core_type<sc_vector_subcore>, window_params = [{transform_indices = #map}, {transform_indices = #map}, {transform_indices = #map}, {transform_indices = #map}, {transform_indices = #map}, {transform_indices = #map}, {transform_indices = #map}]} {
    %mul3A = arith.constant 2 : i32
    %mul3A_0 = arith.muli %arg1, %mul3A : i32
    %add3A = arith.addi %mul3A_0, %arg0 : i32
    %lt3A = arith.constant 16 : i32
    %lt3A_1 = arith.cmpi slt, %add3A, %lt3A : i32
    %convert_element_type3A = arith.extui %lt3A_1 : i1 to i32
    %cond3A = arith.constant 0 : i32
    %cond3A_2 = arith.cmpi ne, %convert_element_type3A, %cond3A : i32
    scf.if %cond3A_2 {
      %mul3A_3 = arith.constant 2048 : i32
      %mul3A_4 = arith.muli %add3A, %mul3A_3 : i32
      "tpu.region"() ({
        %run_scoped3A = tpu.sem_alloc : memref<!tpu.dma_semaphore, #tpu.memory_space<semaphore_mem>>
        %dma_start3A = tpu.memref_slice %arg3[%mul3A_4] : memref<32768xi32, #tpu.memory_space<hbm>> -> memref<2048xi32, #tpu.memory_space<hbm>>
        %dma_start3A_85 = tpu.memref_slice %arg3[%mul3A_4] : memref<32768xi32, #tpu.memory_space<hbm>> -> memref<2048xi32, #tpu.memory_space<hbm>>
        tpu.enqueue_dma source(%dma_start3A_85 : memref<2048xi32, #tpu.memory_space<hbm>>) target(%arg9 : memref<2048xi32, #tpu.memory_space<vmem>>) target_semaphore(%run_scoped3A : memref<!tpu.dma_semaphore, #tpu.memory_space<semaphore_mem>>)
        %dma_wait3A = tpu.memref_slice %arg3[%mul3A_4] : memref<32768xi32, #tpu.memory_space<hbm>> -> memref<2048xi32, #tpu.memory_space<hbm>>
        %dma_wait3A_86 = tpu.memref_slice %arg3[%mul3A_4] : memref<32768xi32, #tpu.memory_space<hbm>> -> memref<2048xi32, #tpu.memory_space<hbm>>
        tpu.wait_dma2 semaphore(%run_scoped3A : memref<!tpu.dma_semaphore, #tpu.memory_space<semaphore_mem>>) src(%dma_wait3A_86 : memref<2048xi32, #tpu.memory_space<hbm>>) dst(%arg9 : memref<2048xi32, #tpu.memory_space<vmem>>)
        tpu.yield
      }) : () -> ()
      "tpu.region"() ({
        %run_scoped3A = tpu.sem_alloc : memref<!tpu.dma_semaphore, #tpu.memory_space<semaphore_mem>>
        tpu.enqueue_dma source(%arg4 : memref<4096xf32, #tpu.memory_space<hbm>>) target(%arg11 : memref<4096xf32, #tpu.memory_space<vmem>>) target_semaphore(%run_scoped3A : memref<!tpu.dma_semaphore, #tpu.memory_space<semaphore_mem>>)
        tpu.wait_dma2 semaphore(%run_scoped3A : memref<!tpu.dma_semaphore, #tpu.memory_space<semaphore_mem>>) src(%arg4 : memref<4096xf32, #tpu.memory_space<hbm>>) dst(%arg11 : memref<4096xf32, #tpu.memory_space<vmem>>)
        tpu.yield
      }) : () -> ()
      "tpu.region"() ({
        %run_scoped3A = tpu.sem_alloc : memref<!tpu.dma_semaphore, #tpu.memory_space<semaphore_mem>>
        %dma_start3A = arith.constant 0 : i32
        %dma_start3A_85 = tpu.memref_slice %arg12[%dma_start3A] : memref<128xf32, #tpu.memory_space<vmem>> -> memref<64xf32, #tpu.memory_space<vmem>>
        %dma_start3A_86 = arith.constant 0 : i32
        %dma_start3A_87 = tpu.memref_slice %arg12[%dma_start3A_86] : memref<128xf32, #tpu.memory_space<vmem>> -> memref<64xf32, #tpu.memory_space<vmem>>
        tpu.enqueue_dma source(%arg5 : memref<64xf32, #tpu.memory_space<hbm>>) target(%dma_start3A_87 : memref<64xf32, #tpu.memory_space<vmem>>) target_semaphore(%run_scoped3A : memref<!tpu.dma_semaphore, #tpu.memory_space<semaphore_mem>>)
        %dma_wait3A = arith.constant 0 : i32
        %dma_wait3A_88 = tpu.memref_slice %arg12[%dma_wait3A] : memref<128xf32, #tpu.memory_space<vmem>> -> memref<64xf32, #tpu.memory_space<vmem>>
        %dma_wait3A_89 = arith.constant 0 : i32
        %dma_wait3A_90 = tpu.memref_slice %arg12[%dma_wait3A_89] : memref<128xf32, #tpu.memory_space<vmem>> -> memref<64xf32, #tpu.memory_space<vmem>>
        tpu.wait_dma2 semaphore(%run_scoped3A : memref<!tpu.dma_semaphore, #tpu.memory_space<semaphore_mem>>) src(%arg5 : memref<64xf32, #tpu.memory_space<hbm>>) dst(%dma_wait3A_90 : memref<64xf32, #tpu.memory_space<vmem>>)
        tpu.yield
      }) : () -> ()
      "tpu.region"() ({
        %run_scoped3A = tpu.sem_alloc : memref<!tpu.dma_semaphore, #tpu.memory_space<semaphore_mem>>
        %dma_start3A = arith.constant 0 : i32
        %dma_start3A_85 = tpu.memref_slice %arg13[%dma_start3A] : memref<128xf32, #tpu.memory_space<vmem>> -> memref<64xf32, #tpu.memory_space<vmem>>
        %dma_start3A_86 = arith.constant 0 : i32
        %dma_start3A_87 = tpu.memref_slice %arg13[%dma_start3A_86] : memref<128xf32, #tpu.memory_space<vmem>> -> memref<64xf32, #tpu.memory_space<vmem>>
        tpu.enqueue_dma source(%arg6 : memref<64xf32, #tpu.memory_space<hbm>>) target(%dma_start3A_87 : memref<64xf32, #tpu.memory_space<vmem>>) target_semaphore(%run_scoped3A : memref<!tpu.dma_semaphore, #tpu.memory_space<semaphore_mem>>)
        %dma_wait3A = arith.constant 0 : i32
        %dma_wait3A_88 = tpu.memref_slice %arg13[%dma_wait3A] : memref<128xf32, #tpu.memory_space<vmem>> -> memref<64xf32, #tpu.memory_space<vmem>>
        %dma_wait3A_89 = arith.constant 0 : i32
        %dma_wait3A_90 = tpu.memref_slice %arg13[%dma_wait3A_89] : memref<128xf32, #tpu.memory_space<vmem>> -> memref<64xf32, #tpu.memory_space<vmem>>
        tpu.wait_dma2 semaphore(%run_scoped3A : memref<!tpu.dma_semaphore, #tpu.memory_space<semaphore_mem>>) src(%arg6 : memref<64xf32, #tpu.memory_space<hbm>>) dst(%dma_wait3A_90 : memref<64xf32, #tpu.memory_space<vmem>>)
        tpu.yield
      }) : () -> ()
      "tpu.region"() ({
        %run_scoped3A = tpu.sem_alloc : memref<!tpu.dma_semaphore, #tpu.memory_space<semaphore_mem>>
        tpu.enqueue_dma source(%arg7 : memref<16xi32, #tpu.memory_space<hbm>>) target(%arg14 : memref<16xi32, #tpu.memory_space<vmem>>) target_semaphore(%run_scoped3A : memref<!tpu.dma_semaphore, #tpu.memory_space<semaphore_mem>>)
        tpu.wait_dma2 semaphore(%run_scoped3A : memref<!tpu.dma_semaphore, #tpu.memory_space<semaphore_mem>>) src(%arg7 : memref<16xi32, #tpu.memory_space<hbm>>) dst(%arg14 : memref<16xi32, #tpu.memory_space<vmem>>)
        tpu.yield
      }) : () -> ()
      %iota3A = tpu.iota {dimensions = array<i32: 0>} : vector<16xi32>
      %get3A = arith.constant 0 : index
      %get3A_5 = tpu.vector_load %arg14[%get3A] {strides = array<i32>} : memref<16xi32, #tpu.memory_space<vmem>>, vector<16xi32>,
      %convert_element_type3A_6 = arith.sitofp %get3A_5 : vector<16xi32> to vector<16xf32>
      %eq3A = vector.broadcast %add3A : i32 to vector<16xi32>
      %eq3A_7 = arith.cmpi eq, %iota3A, %eq3A : vector<16xi32>
      %jit3A = arith.constant 0.000000e+00 : f32
      %broadcast_in_dim3A = vector.broadcast %jit3A : f32 to vector<16xf32>
      %select_n3A = arith.select %eq3A_7, %convert_element_type3A_6, %broadcast_in_dim3A : vector<16xi1>, vector<16xf32>
      %reduce_sum3A = arith.constant true
      %reduce_sum3A_8 = vector.broadcast %reduce_sum3A : i1 to vector<16xi1>
      %reduce_sum3A_9 = tpu.scan <sum>, %select_n3A masked %reduce_sum3A_8 : vector<16xf32>, vector<16xi1> -> vector<16xf32>
      %reduce_sum3A_10 = vector.extract %reduce_sum3A_9[15] : f32 from vector<16xf32>
      %convert_element_type3A_11 = arith.fptosi %reduce_sum3A_10 : f32 to i32
      %broadcast_in_dim3A_12 = vector.broadcast %convert_element_type3A_11 : i32 to vector<16xi32>
      %broadcast_in_dim3A_13 = arith.constant 0.000000e+00 : f32
      %broadcast_in_dim3A_14 = vector.broadcast %broadcast_in_dim3A_13 : f32 to vector<16xf32>
      %mul3A_15 = arith.constant 2048 : i32
      %mul3A_16 = arith.muli %add3A, %mul3A_15 : i32
      %add3A_17 = arith.constant 0 : i32
      %add3A_18 = arith.addi %mul3A_16, %add3A_17 : i32
      %mul3A_19 = arith.constant 64 : i32
      %mul3A_20 = arith.muli %add3A_18, %mul3A_19 : i32
      "tpu.region"() ({
        %run_scoped3A = tpu.sem_alloc : memref<!tpu.dma_semaphore, #tpu.memory_space<semaphore_mem>>
        %dma_start3A = tpu.memref_slice %arg2[%mul3A_20] : memref<2097152xf32, #tpu.memory_space<hbm>> -> memref<32768xf32, #tpu.memory_space<hbm>>
        %dma_start3A_85 = tpu.memref_slice %arg2[%mul3A_20] : memref<2097152xf32, #tpu.memory_space<hbm>> -> memref<32768xf32, #tpu.memory_space<hbm>>
        tpu.enqueue_dma source(%dma_start3A_85 : memref<32768xf32, #tpu.memory_space<hbm>>) target(%arg10 : memref<32768xf32, #tpu.memory_space<vmem>>) target_semaphore(%run_scoped3A : memref<!tpu.dma_semaphore, #tpu.memory_space<semaphore_mem>>)
        %dma_wait3A = tpu.memref_slice %arg2[%mul3A_20] : memref<2097152xf32, #tpu.memory_space<hbm>> -> memref<32768xf32, #tpu.memory_space<hbm>>
        %dma_wait3A_86 = tpu.memref_slice %arg2[%mul3A_20] : memref<2097152xf32, #tpu.memory_space<hbm>> -> memref<32768xf32, #tpu.memory_space<hbm>>
        tpu.wait_dma2 semaphore(%run_scoped3A : memref<!tpu.dma_semaphore, #tpu.memory_space<semaphore_mem>>) src(%dma_wait3A_86 : memref<32768xf32, #tpu.memory_space<hbm>>) dst(%arg10 : memref<32768xf32, #tpu.memory_space<vmem>>)
        tpu.yield
      }) : () -> ()
      %scan3A = arith.constant 0 : i32
      %scan3A_21 = arith.constant 32 : i32
      %scan3A_22 = arith.addi %scan3A, %scan3A_21 : i32
      %scan3A_23 = arith.constant 1 : i32
      %scan3A_24 = scf.for %scan3A_85 = %scan3A to %scan3A_22 step %scan3A_23 iter_args(%scan3A_86 = %broadcast_in_dim3A_14) -> (vector<16xf32>)  : i32 {
        %mul3A_87 = arith.constant 16 : i32
        %mul3A_88 = arith.muli %scan3A_85, %mul3A_87 : i32
        %add3A_89 = vector.broadcast %mul3A_88 : i32 to vector<16xi32>
        %add3A_90 = arith.addi %add3A_89, %iota3A : vector<16xi32>
        %add3A_91 = arith.constant 0 : i32
        %add3A_92 = vector.broadcast %add3A_91 : i32 to vector<16xi32>
        %add3A_93 = arith.addi %add3A_92, %add3A_90 : vector<16xi32>
        %gather3A_94 = tpu.vector_load_idx %arg9[%add3A_93] : memref<2048xi32, #tpu.memory_space<vmem>>[vector<16xi32>], vector<16xi32>,
        %sub3A_95 = arith.constant 1 : i32
        %sub3A_96 = vector.broadcast %sub3A_95 : i32 to vector<16xi32>
        %sub3A_97 = arith.subi %add3A_93, %sub3A_96 : vector<16xi32>
        %max3A = arith.constant 0 : i32
        %max3A_98 = vector.broadcast %max3A : i32 to vector<16xi32>
        %max3A_99 = arith.maxsi %sub3A_97, %max3A_98 : vector<16xi32>
        %gather3A_100 = tpu.vector_load_idx %arg9[%max3A_99] : memref<2048xi32, #tpu.memory_space<vmem>>[vector<16xi32>], vector<16xi32>,
        %mul3A_101 = arith.constant 64 : i32
        %mul3A_102 = vector.broadcast %mul3A_101 : i32 to vector<16xi32>
        %mul3A_103 = arith.muli %add3A_90, %mul3A_102 : vector<16xi32>
        %add3A_104 = arith.addi %mul3A_103, %gather3A_94 : vector<16xi32>
        %gather3A_105 = tpu.vector_load_idx %arg10[%add3A_104] : memref<32768xf32, #tpu.memory_space<vmem>>[vector<16xi32>], vector<16xf32>,
        %mul3A_106 = arith.constant 64 : i32
        %mul3A_107 = vector.broadcast %mul3A_106 : i32 to vector<16xi32>
        %mul3A_108 = arith.muli %gather3A_100, %mul3A_107 : vector<16xi32>
        %add3A_109 = arith.addi %mul3A_108, %gather3A_94 : vector<16xi32>
        %gather3A_110 = tpu.vector_load_idx %arg11[%add3A_109] : memref<4096xf32, #tpu.memory_space<vmem>>[vector<16xi32>], vector<16xf32>,
        %lt3A_111 = arith.cmpi slt, %add3A_93, %broadcast_in_dim3A_12 : vector<16xi32>
        %ge3A = arith.constant 1 : i32
        %ge3A_112 = vector.broadcast %ge3A : i32 to vector<16xi32>
        %ge3A_113 = arith.cmpi sge, %add3A_93, %ge3A_112 : vector<16xi32>
        %and3A = arith.andi %lt3A_111, %ge3A_113 : vector<16xi1>
        %jit3A_114 = arith.constant 0.000000e+00 : f32
        %broadcast_in_dim3A_115 = vector.broadcast %jit3A_114 : f32 to vector<16xf32>
        %select_n3A_116 = arith.select %lt3A_111, %gather3A_105, %broadcast_in_dim3A_115 : vector<16xi1>, vector<16xf32>
        %add3A_117 = arith.addf %scan3A_86, %select_n3A_116 : vector<16xf32>
        %jit3A_118 = arith.constant 0.000000e+00 : f32
        %broadcast_in_dim3A_119 = vector.broadcast %jit3A_118 : f32 to vector<16xf32>
        %select_n3A_120 = arith.select %and3A, %gather3A_110, %broadcast_in_dim3A_119 : vector<16xi1>, vector<16xf32>
        %add3A_121 = arith.addf %add3A_117, %select_n3A_120 : vector<16xf32>
        scf.yield %add3A_121 : vector<16xf32>
      }
      %scan3A_25 = arith.constant 32 : i32
      %mul3A_26 = arith.constant 2048 : i32
      %mul3A_27 = arith.muli %add3A, %mul3A_26 : i32
      %add3A_28 = arith.constant 512 : i32
      %add3A_29 = arith.addi %mul3A_27, %add3A_28 : i32
      %mul3A_30 = arith.constant 64 : i32
      %mul3A_31 = arith.muli %add3A_29, %mul3A_30 : i32
      "tpu.region"() ({
        %run_scoped3A = tpu.sem_alloc : memref<!tpu.dma_semaphore, #tpu.memory_space<semaphore_mem>>
        %dma_start3A = tpu.memref_slice %arg2[%mul3A_31] : memref<2097152xf32, #tpu.memory_space<hbm>> -> memref<32768xf32, #tpu.memory_space<hbm>>
        %dma_start3A_85 = tpu.memref_slice %arg2[%mul3A_31] : memref<2097152xf32, #tpu.memory_space<hbm>> -> memref<32768xf32, #tpu.memory_space<hbm>>
        tpu.enqueue_dma source(%dma_start3A_85 : memref<32768xf32, #tpu.memory_space<hbm>>) target(%arg10 : memref<32768xf32, #tpu.memory_space<vmem>>) target_semaphore(%run_scoped3A : memref<!tpu.dma_semaphore, #tpu.memory_space<semaphore_mem>>)
        %dma_wait3A = tpu.memref_slice %arg2[%mul3A_31] : memref<2097152xf32, #tpu.memory_space<hbm>> -> memref<32768xf32, #tpu.memory_space<hbm>>
        %dma_wait3A_86 = tpu.memref_slice %arg2[%mul3A_31] : memref<2097152xf32, #tpu.memory_space<hbm>> -> memref<32768xf32, #tpu.memory_space<hbm>>
        tpu.wait_dma2 semaphore(%run_scoped3A : memref<!tpu.dma_semaphore, #tpu.memory_space<semaphore_mem>>) src(%dma_wait3A_86 : memref<32768xf32, #tpu.memory_space<hbm>>) dst(%arg10 : memref<32768xf32, #tpu.memory_space<vmem>>)
        tpu.yield
      }) : () -> ()
      %scan3A_32 = arith.constant 0 : i32
      %scan3A_33 = arith.constant 32 : i32
      %scan3A_34 = arith.addi %scan3A_32, %scan3A_33 : i32
      %scan3A_35 = arith.constant 1 : i32
      %scan3A_36 = scf.for %scan3A_85 = %scan3A_32 to %scan3A_34 step %scan3A_35 iter_args(%scan3A_86 = %scan3A_24) -> (vector<16xf32>)  : i32 {
        %mul3A_87 = arith.constant 16 : i32
        %mul3A_88 = arith.muli %scan3A_85, %mul3A_87 : i32
        %add3A_89 = vector.broadcast %mul3A_88 : i32 to vector<16xi32>
        %add3A_90 = arith.addi %add3A_89, %iota3A : vector<16xi32>
        %add3A_91 = arith.constant 512 : i32
        %add3A_92 = vector.broadcast %add3A_91 : i32 to vector<16xi32>
        %add3A_93 = arith.addi %add3A_92, %add3A_90 : vector<16xi32>
        %gather3A_94 = tpu.vector_load_idx %arg9[%add3A_93] : memref<2048xi32, #tpu.memory_space<vmem>>[vector<16xi32>], vector<16xi32>,
        %sub3A_95 = arith.constant 1 : i32
        %sub3A_96 = vector.broadcast %sub3A_95 : i32 to vector<16xi32>
        %sub3A_97 = arith.subi %add3A_93, %sub3A_96 : vector<16xi32>
        %max3A = arith.constant 0 : i32
        %max3A_98 = vector.broadcast %max3A : i32 to vector<16xi32>
        %max3A_99 = arith.maxsi %sub3A_97, %max3A_98 : vector<16xi32>
        %gather3A_100 = tpu.vector_load_idx %arg9[%max3A_99] : memref<2048xi32, #tpu.memory_space<vmem>>[vector<16xi32>], vector<16xi32>,
        %mul3A_101 = arith.constant 64 : i32
        %mul3A_102 = vector.broadcast %mul3A_101 : i32 to vector<16xi32>
        %mul3A_103 = arith.muli %add3A_90, %mul3A_102 : vector<16xi32>
        %add3A_104 = arith.addi %mul3A_103, %gather3A_94 : vector<16xi32>
        %gather3A_105 = tpu.vector_load_idx %arg10[%add3A_104] : memref<32768xf32, #tpu.memory_space<vmem>>[vector<16xi32>], vector<16xf32>,
        %mul3A_106 = arith.constant 64 : i32
        %mul3A_107 = vector.broadcast %mul3A_106 : i32 to vector<16xi32>
        %mul3A_108 = arith.muli %gather3A_100, %mul3A_107 : vector<16xi32>
        %add3A_109 = arith.addi %mul3A_108, %gather3A_94 : vector<16xi32>
        %gather3A_110 = tpu.vector_load_idx %arg11[%add3A_109] : memref<4096xf32, #tpu.memory_space<vmem>>[vector<16xi32>], vector<16xf32>,
        %lt3A_111 = arith.cmpi slt, %add3A_93, %broadcast_in_dim3A_12 : vector<16xi32>
        %ge3A = arith.constant 1 : i32
        %ge3A_112 = vector.broadcast %ge3A : i32 to vector<16xi32>
        %ge3A_113 = arith.cmpi sge, %add3A_93, %ge3A_112 : vector<16xi32>
        %and3A = arith.andi %lt3A_111, %ge3A_113 : vector<16xi1>
        %jit3A_114 = arith.constant 0.000000e+00 : f32
        %broadcast_in_dim3A_115 = vector.broadcast %jit3A_114 : f32 to vector<16xf32>
        %select_n3A_116 = arith.select %lt3A_111, %gather3A_105, %broadcast_in_dim3A_115 : vector<16xi1>, vector<16xf32>
        %add3A_117 = arith.addf %scan3A_86, %select_n3A_116 : vector<16xf32>
        %jit3A_118 = arith.constant 0.000000e+00 : f32
        %broadcast_in_dim3A_119 = vector.broadcast %jit3A_118 : f32 to vector<16xf32>
        %select_n3A_120 = arith.select %and3A, %gather3A_110, %broadcast_in_dim3A_119 : vector<16xi1>, vector<16xf32>
        %add3A_121 = arith.addf %add3A_117, %select_n3A_120 : vector<16xf32>
        scf.yield %add3A_121 : vector<16xf32>
      }
      %scan3A_37 = arith.constant 32 : i32
      %mul3A_38 = arith.constant 2048 : i32
      %mul3A_39 = arith.muli %add3A, %mul3A_38 : i32
      %add3A_40 = arith.constant 1024 : i32
      %add3A_41 = arith.addi %mul3A_39, %add3A_40 : i32
      %mul3A_42 = arith.constant 64 : i32
      %mul3A_43 = arith.muli %add3A_41, %mul3A_42 : i32
      "tpu.region"() ({
        %run_scoped3A = tpu.sem_alloc : memref<!tpu.dma_semaphore, #tpu.memory_space<semaphore_mem>>
        %dma_start3A = tpu.memref_slice %arg2[%mul3A_43] : memref<2097152xf32, #tpu.memory_space<hbm>> -> memref<32768xf32, #tpu.memory_space<hbm>>
        %dma_start3A_85 = tpu.memref_slice %arg2[%mul3A_43] : memref<2097152xf32, #tpu.memory_space<hbm>> -> memref<32768xf32, #tpu.memory_space<hbm>>
        tpu.enqueue_dma source(%dma_start3A_85 : memref<32768xf32, #tpu.memory_space<hbm>>) target(%arg10 : memref<32768xf32, #tpu.memory_space<vmem>>) target_semaphore(%run_scoped3A : memref<!tpu.dma_semaphore, #tpu.memory_space<semaphore_mem>>)
        %dma_wait3A = tpu.memref_slice %arg2[%mul3A_43] : memref<2097152xf32, #tpu.memory_space<hbm>> -> memref<32768xf32, #tpu.memory_space<hbm>>
        %dma_wait3A_86 = tpu.memref_slice %arg2[%mul3A_43] : memref<2097152xf32, #tpu.memory_space<hbm>> -> memref<32768xf32, #tpu.memory_space<hbm>>
        tpu.wait_dma2 semaphore(%run_scoped3A : memref<!tpu.dma_semaphore, #tpu.memory_space<semaphore_mem>>) src(%dma_wait3A_86 : memref<32768xf32, #tpu.memory_space<hbm>>) dst(%arg10 : memref<32768xf32, #tpu.memory_space<vmem>>)
        tpu.yield
      }) : () -> ()
      %scan3A_44 = arith.constant 0 : i32
      %scan3A_45 = arith.constant 32 : i32
      %scan3A_46 = arith.addi %scan3A_44, %scan3A_45 : i32
      %scan3A_47 = arith.constant 1 : i32
      %scan3A_48 = scf.for %scan3A_85 = %scan3A_44 to %scan3A_46 step %scan3A_47 iter_args(%scan3A_86 = %scan3A_36) -> (vector<16xf32>)  : i32 {
        %mul3A_87 = arith.constant 16 : i32
        %mul3A_88 = arith.muli %scan3A_85, %mul3A_87 : i32
        %add3A_89 = vector.broadcast %mul3A_88 : i32 to vector<16xi32>
        %add3A_90 = arith.addi %add3A_89, %iota3A : vector<16xi32>
        %add3A_91 = arith.constant 1024 : i32
        %add3A_92 = vector.broadcast %add3A_91 : i32 to vector<16xi32>
        %add3A_93 = arith.addi %add3A_92, %add3A_90 : vector<16xi32>
        %gather3A_94 = tpu.vector_load_idx %arg9[%add3A_93] : memref<2048xi32, #tpu.memory_space<vmem>>[vector<16xi32>], vector<16xi32>,
        %sub3A_95 = arith.constant 1 : i32
        %sub3A_96 = vector.broadcast %sub3A_95 : i32 to vector<16xi32>
        %sub3A_97 = arith.subi %add3A_93, %sub3A_96 : vector<16xi32>
        %max3A = arith.constant 0 : i32
        %max3A_98 = vector.broadcast %max3A : i32 to vector<16xi32>
        %max3A_99 = arith.maxsi %sub3A_97, %max3A_98 : vector<16xi32>
        %gather3A_100 = tpu.vector_load_idx %arg9[%max3A_99] : memref<2048xi32, #tpu.memory_space<vmem>>[vector<16xi32>], vector<16xi32>,
        %mul3A_101 = arith.constant 64 : i32
        %mul3A_102 = vector.broadcast %mul3A_101 : i32 to vector<16xi32>
        %mul3A_103 = arith.muli %add3A_90, %mul3A_102 : vector<16xi32>
        %add3A_104 = arith.addi %mul3A_103, %gather3A_94 : vector<16xi32>
        %gather3A_105 = tpu.vector_load_idx %arg10[%add3A_104] : memref<32768xf32, #tpu.memory_space<vmem>>[vector<16xi32>], vector<16xf32>,
        %mul3A_106 = arith.constant 64 : i32
        %mul3A_107 = vector.broadcast %mul3A_106 : i32 to vector<16xi32>
        %mul3A_108 = arith.muli %gather3A_100, %mul3A_107 : vector<16xi32>
        %add3A_109 = arith.addi %mul3A_108, %gather3A_94 : vector<16xi32>
        %gather3A_110 = tpu.vector_load_idx %arg11[%add3A_109] : memref<4096xf32, #tpu.memory_space<vmem>>[vector<16xi32>], vector<16xf32>,
        %lt3A_111 = arith.cmpi slt, %add3A_93, %broadcast_in_dim3A_12 : vector<16xi32>
        %ge3A = arith.constant 1 : i32
        %ge3A_112 = vector.broadcast %ge3A : i32 to vector<16xi32>
        %ge3A_113 = arith.cmpi sge, %add3A_93, %ge3A_112 : vector<16xi32>
        %and3A = arith.andi %lt3A_111, %ge3A_113 : vector<16xi1>
        %jit3A_114 = arith.constant 0.000000e+00 : f32
        %broadcast_in_dim3A_115 = vector.broadcast %jit3A_114 : f32 to vector<16xf32>
        %select_n3A_116 = arith.select %lt3A_111, %gather3A_105, %broadcast_in_dim3A_115 : vector<16xi1>, vector<16xf32>
        %add3A_117 = arith.addf %scan3A_86, %select_n3A_116 : vector<16xf32>
        %jit3A_118 = arith.constant 0.000000e+00 : f32
        %broadcast_in_dim3A_119 = vector.broadcast %jit3A_118 : f32 to vector<16xf32>
        %select_n3A_120 = arith.select %and3A, %gather3A_110, %broadcast_in_dim3A_119 : vector<16xi1>, vector<16xf32>
        %add3A_121 = arith.addf %add3A_117, %select_n3A_120 : vector<16xf32>
        scf.yield %add3A_121 : vector<16xf32>
      }
      %scan3A_49 = arith.constant 32 : i32
      %mul3A_50 = arith.constant 2048 : i32
      %mul3A_51 = arith.muli %add3A, %mul3A_50 : i32
      %add3A_52 = arith.constant 1536 : i32
      %add3A_53 = arith.addi %mul3A_51, %add3A_52 : i32
      %mul3A_54 = arith.constant 64 : i32
      %mul3A_55 = arith.muli %add3A_53, %mul3A_54 : i32
      "tpu.region"() ({
        %run_scoped3A = tpu.sem_alloc : memref<!tpu.dma_semaphore, #tpu.memory_space<semaphore_mem>>
        %dma_start3A = tpu.memref_slice %arg2[%mul3A_55] : memref<2097152xf32, #tpu.memory_space<hbm>> -> memref<32768xf32, #tpu.memory_space<hbm>>
        %dma_start3A_85 = tpu.memref_slice %arg2[%mul3A_55] : memref<2097152xf32, #tpu.memory_space<hbm>> -> memref<32768xf32, #tpu.memory_space<hbm>>
        tpu.enqueue_dma source(%dma_start3A_85 : memref<32768xf32, #tpu.memory_space<hbm>>) target(%arg10 : memref<32768xf32, #tpu.memory_space<vmem>>) target_semaphore(%run_scoped3A : memref<!tpu.dma_semaphore, #tpu.memory_space<semaphore_mem>>)
        %dma_wait3A = tpu.memref_slice %arg2[%mul3A_55] : memref<2097152xf32, #tpu.memory_space<hbm>> -> memref<32768xf32, #tpu.memory_space<hbm>>
        %dma_wait3A_86 = tpu.memref_slice %arg2[%mul3A_55] : memref<2097152xf32, #tpu.memory_space<hbm>> -> memref<32768xf32, #tpu.memory_space<hbm>>
        tpu.wait_dma2 semaphore(%run_scoped3A : memref<!tpu.dma_semaphore, #tpu.memory_space<semaphore_mem>>) src(%dma_wait3A_86 : memref<32768xf32, #tpu.memory_space<hbm>>) dst(%arg10 : memref<32768xf32, #tpu.memory_space<vmem>>)
        tpu.yield
      }) : () -> ()
      %scan3A_56 = arith.constant 0 : i32
      %scan3A_57 = arith.constant 32 : i32
      %scan3A_58 = arith.addi %scan3A_56, %scan3A_57 : i32
      %scan3A_59 = arith.constant 1 : i32
      %scan3A_60 = scf.for %scan3A_85 = %scan3A_56 to %scan3A_58 step %scan3A_59 iter_args(%scan3A_86 = %scan3A_48) -> (vector<16xf32>)  : i32 {
        %mul3A_87 = arith.constant 16 : i32
        %mul3A_88 = arith.muli %scan3A_85, %mul3A_87 : i32
        %add3A_89 = vector.broadcast %mul3A_88 : i32 to vector<16xi32>
        %add3A_90 = arith.addi %add3A_89, %iota3A : vector<16xi32>
        %add3A_91 = arith.constant 1536 : i32
        %add3A_92 = vector.broadcast %add3A_91 : i32 to vector<16xi32>
        %add3A_93 = arith.addi %add3A_92, %add3A_90 : vector<16xi32>
        %gather3A_94 = tpu.vector_load_idx %arg9[%add3A_93] : memref<2048xi32, #tpu.memory_space<vmem>>[vector<16xi32>], vector<16xi32>,
        %sub3A_95 = arith.constant 1 : i32
        %sub3A_96 = vector.broadcast %sub3A_95 : i32 to vector<16xi32>
        %sub3A_97 = arith.subi %add3A_93, %sub3A_96 : vector<16xi32>
        %max3A = arith.constant 0 : i32
        %max3A_98 = vector.broadcast %max3A : i32 to vector<16xi32>
        %max3A_99 = arith.maxsi %sub3A_97, %max3A_98 : vector<16xi32>
        %gather3A_100 = tpu.vector_load_idx %arg9[%max3A_99] : memref<2048xi32, #tpu.memory_space<vmem>>[vector<16xi32>], vector<16xi32>,
        %mul3A_101 = arith.constant 64 : i32
        %mul3A_102 = vector.broadcast %mul3A_101 : i32 to vector<16xi32>
        %mul3A_103 = arith.muli %add3A_90, %mul3A_102 : vector<16xi32>
        %add3A_104 = arith.addi %mul3A_103, %gather3A_94 : vector<16xi32>
        %gather3A_105 = tpu.vector_load_idx %arg10[%add3A_104] : memref<32768xf32, #tpu.memory_space<vmem>>[vector<16xi32>], vector<16xf32>,
        %mul3A_106 = arith.constant 64 : i32
        %mul3A_107 = vector.broadcast %mul3A_106 : i32 to vector<16xi32>
        %mul3A_108 = arith.muli %gather3A_100, %mul3A_107 : vector<16xi32>
        %add3A_109 = arith.addi %mul3A_108, %gather3A_94 : vector<16xi32>
        %gather3A_110 = tpu.vector_load_idx %arg11[%add3A_109] : memref<4096xf32, #tpu.memory_space<vmem>>[vector<16xi32>], vector<16xf32>,
        %lt3A_111 = arith.cmpi slt, %add3A_93, %broadcast_in_dim3A_12 : vector<16xi32>
        %ge3A = arith.constant 1 : i32
        %ge3A_112 = vector.broadcast %ge3A : i32 to vector<16xi32>
        %ge3A_113 = arith.cmpi sge, %add3A_93, %ge3A_112 : vector<16xi32>
        %and3A = arith.andi %lt3A_111, %ge3A_113 : vector<16xi1>
        %jit3A_114 = arith.constant 0.000000e+00 : f32
        %broadcast_in_dim3A_115 = vector.broadcast %jit3A_114 : f32 to vector<16xf32>
        %select_n3A_116 = arith.select %lt3A_111, %gather3A_105, %broadcast_in_dim3A_115 : vector<16xi1>, vector<16xf32>
        %add3A_117 = arith.addf %scan3A_86, %select_n3A_116 : vector<16xf32>
        %jit3A_118 = arith.constant 0.000000e+00 : f32
        %broadcast_in_dim3A_119 = vector.broadcast %jit3A_118 : f32 to vector<16xf32>
        %select_n3A_120 = arith.select %and3A, %gather3A_110, %broadcast_in_dim3A_119 : vector<16xi1>, vector<16xf32>
        %add3A_121 = arith.addf %add3A_117, %select_n3A_120 : vector<16xf32>
        scf.yield %add3A_121 : vector<16xf32>
      }
      %scan3A_61 = arith.constant 32 : i32
      %broadcast_in_dim3A_62 = arith.constant 0 : i32
      %broadcast_in_dim3A_63 = vector.broadcast %broadcast_in_dim3A_62 : i32 to vector<16xi32>
      %gather3A = tpu.vector_load_idx %arg9[%broadcast_in_dim3A_63] : memref<2048xi32, #tpu.memory_space<vmem>>[vector<16xi32>], vector<16xi32>,
      %gather3A_64 = tpu.vector_load_idx %arg12[%gather3A] : memref<128xf32, #tpu.memory_space<vmem>>[vector<16xi32>], vector<16xf32>,
      %sub3A = arith.constant 1 : i32
      %sub3A_65 = vector.broadcast %sub3A : i32 to vector<16xi32>
      %sub3A_66 = arith.subi %broadcast_in_dim3A_12, %sub3A_65 : vector<16xi32>
      %gather3A_67 = tpu.vector_load_idx %arg9[%sub3A_66] : memref<2048xi32, #tpu.memory_space<vmem>>[vector<16xi32>], vector<16xi32>,
      %gather3A_68 = tpu.vector_load_idx %arg13[%gather3A_67] : memref<128xf32, #tpu.memory_space<vmem>>[vector<16xi32>], vector<16xf32>,
      %eq3A_69 = arith.constant 0 : i32
      %eq3A_70 = vector.broadcast %eq3A_69 : i32 to vector<16xi32>
      %eq3A_71 = arith.cmpi eq, %iota3A, %eq3A_70 : vector<16xi32>
      %add3A_72 = arith.addf %gather3A_64, %gather3A_68 : vector<16xf32>
      %jit3A_73 = arith.constant 0.000000e+00 : f32
      %broadcast_in_dim3A_74 = vector.broadcast %jit3A_73 : f32 to vector<16xf32>
      %select_n3A_75 = arith.select %eq3A_71, %add3A_72, %broadcast_in_dim3A_74 : vector<16xi1>, vector<16xf32>
      %add3A_76 = arith.addf %scan3A_60, %select_n3A_75 : vector<16xf32>
      %reduce_sum3A_77 = arith.constant true
      %reduce_sum3A_78 = vector.broadcast %reduce_sum3A_77 : i1 to vector<16xi1>
      %reduce_sum3A_79 = tpu.scan <sum>, %add3A_76 masked %reduce_sum3A_78 : vector<16xf32>, vector<16xi1> -> vector<16xf32>
      %reduce_sum3A_80 = vector.extract %reduce_sum3A_79[15] : f32 from vector<16xf32>
      %broadcast_in_dim3A_81 = vector.broadcast %reduce_sum3A_80 : f32 to vector<16xf32>
      %swap3A = arith.constant 0 : index
      %swap3A_82 = tpu.vector_load %arg15[%swap3A] {strides = array<i32>} : memref<16xf32, #tpu.memory_space<vmem>>, vector<16xf32>,
      tpu.vector_store %arg15[%swap3A], %broadcast_in_dim3A_81 {strides = array<i32>} : memref<16xf32, #tpu.memory_space<vmem>>, vector<16xf32>,
      %mul3A_83 = arith.constant 16 : i32
      %mul3A_84 = arith.muli %add3A, %mul3A_83 : i32
      "tpu.region"() ({
        %run_scoped3A = tpu.sem_alloc : memref<!tpu.dma_semaphore, #tpu.memory_space<semaphore_mem>>
        %dma_start3A = tpu.memref_slice %arg8[%mul3A_84] : memref<256xf32, #tpu.memory_space<hbm>> -> memref<16xf32, #tpu.memory_space<hbm>>
        %dma_start3A_85 = tpu.memref_slice %arg8[%mul3A_84] : memref<256xf32, #tpu.memory_space<hbm>> -> memref<16xf32, #tpu.memory_space<hbm>>
        tpu.enqueue_dma source(%arg15 : memref<16xf32, #tpu.memory_space<vmem>>) target(%dma_start3A_85 : memref<16xf32, #tpu.memory_space<hbm>>) target_semaphore(%run_scoped3A : memref<!tpu.dma_semaphore, #tpu.memory_space<semaphore_mem>>)
        %dma_wait3A = tpu.memref_slice %arg8[%mul3A_84] : memref<256xf32, #tpu.memory_space<hbm>> -> memref<16xf32, #tpu.memory_space<hbm>>
        %dma_wait3A_86 = tpu.memref_slice %arg8[%mul3A_84] : memref<256xf32, #tpu.memory_space<hbm>> -> memref<16xf32, #tpu.memory_space<hbm>>
        tpu.wait_dma2 semaphore(%run_scoped3A : memref<!tpu.dma_semaphore, #tpu.memory_space<semaphore_mem>>) src(%arg15 : memref<16xf32, #tpu.memory_space<vmem>>) dst(%dma_wait3A_86 : memref<16xf32, #tpu.memory_space<hbm>>)
        tpu.yield
      }) : () -> ()
    } else {
    }
    return
  }
}

module attributes {stable_mosaic.version = 14 : i64} {
  func.func @_fwd_body(%arg0: i32, %arg1: memref<16x1xi32, #tpu.memory_space<vmem>>, %arg2: memref<16x128x64xf32, #tpu.memory_space<vmem>>, %arg3: memref<16x128x64xf32, #tpu.memory_space<vmem>>, %arg4: memref<64x64xf32, #tpu.memory_space<vmem>>, %arg5: memref<64x64xf32, #tpu.memory_space<vmem>>, %arg6: memref<8x64xf32, #tpu.memory_space<vmem>>, %arg7: memref<8x64xf32, #tpu.memory_space<vmem>>, %arg8: memref<16x128xf32, #tpu.memory_space<vmem>>, %arg9: memref<16x64xf32, #tpu.memory_space<vmem>>, %arg10: memref<16x64xf32, #tpu.memory_space<vmem>>, %arg11: memref<16x64xf32, #tpu.memory_space<vmem>>, %arg12: memref<16x64xf32, #tpu.memory_space<vmem>>, %arg13: memref<16x128x64xf32, #tpu.memory_space<vmem>>, %arg14: memref<16x128x64xf32, #tpu.memory_space<vmem>>) attributes {dimension_semantics = [#tpu.dimension_semantics<arbitrary>], iteration_bounds = array<i64: 8>, scalar_prefetch = 0 : i64, scratch_operands = 6 : i64, tpu.core_type = #tpu.core_type<tc>, window_params = [{pipeline_mode = #tpu.pipeline_mode<synchronous>, transform_indices = @transform_0, window_bounds = array<i64: 16, 1>}, {transform_indices = @transform_1, window_bounds = array<i64: 16, 128, 64>}, {transform_indices = @transform_2, window_bounds = array<i64: 16, 128, 64>}, {pipeline_mode = #tpu.pipeline_mode<synchronous>, transform_indices = @transform_3, window_bounds = array<i64: 64, 64>}, {pipeline_mode = #tpu.pipeline_mode<synchronous>, transform_indices = @transform_4, window_bounds = array<i64: 64, 64>}, {pipeline_mode = #tpu.pipeline_mode<synchronous>, transform_indices = @transform_5, window_bounds = array<i64: 8, 64>}, {pipeline_mode = #tpu.pipeline_mode<synchronous>, transform_indices = @transform_6, window_bounds = array<i64: 8, 64>}, {pipeline_mode = #tpu.pipeline_mode<synchronous>, transform_indices = @transform_7, window_bounds = array<i64: 16, 128>}]} {
    %get3A = arith.constant 0 : index
    %get3A_0 = arith.constant 0 : index
    %get3A_1 = vector.load %arg4[%get3A, %get3A_0] : memref<64x64xf32, #tpu.memory_space<vmem>>, vector<64x64xf32>
    %exp3A = math.exp %get3A_1 : vector<64x64xf32>
    %convert_element_type3A = arith.truncf %exp3A : vector<64x64xf32> to vector<64x64xbf16>
    %get3A_2 = arith.constant 0 : index
    %get3A_3 = arith.constant 0 : index
    %get3A_4 = vector.load %arg5[%get3A_2, %get3A_3] : memref<64x64xf32, #tpu.memory_space<vmem>>, vector<64x64xf32>
    %exp3A_5 = math.exp %get3A_4 : vector<64x64xf32>
    %convert_element_type3A_6 = arith.truncf %exp3A_5 : vector<64x64xf32> to vector<64x64xbf16>
    %get3A_7 = arith.constant 0 : index
    %get3A_8 = arith.constant 0 : index
    %get3A_9 = vector.load %arg1[%get3A_7, %get3A_8] : memref<16x1xi32, #tpu.memory_space<vmem>>, vector<16x1xi32>
    %broadcast_in_dim3A = vector.shape_cast %get3A_9 : vector<16x1xi32> to vector<16x1xi32>
    %broadcast_in_dim3A_10 = vector.broadcast %broadcast_in_dim3A : vector<16x1xi32> to vector<16x64xi32>
    %get3A_11 = arith.constant 0 : index
    %get3A_12 = arith.constant 0 : index
    %get3A_13 = arith.constant 0 : index
    %get3A_14 = vector.load %arg2[%get3A_11, %get3A_12, %get3A_13] : memref<16x128x64xf32, #tpu.memory_space<vmem>>, vector<16x128x64xf32>
    %exp3A_15 = math.exp %get3A_14 : vector<16x128x64xf32>
    %swap3A = arith.constant 0 : index
    %swap3A_16 = arith.constant 0 : index
    %swap3A_17 = arith.constant 0 : index
    %swap3A_18 = vector.load %arg13[%swap3A, %swap3A_16, %swap3A_17] : memref<16x128x64xf32, #tpu.memory_space<vmem>>, vector<16x128x64xf32>
    tpu.vector_store %arg13[%swap3A, %swap3A_16, %swap3A_17], %exp3A_15 {strides = array<i32>} : memref<16x128x64xf32, #tpu.memory_space<vmem>>, vector<16x128x64xf32>,
    %get3A_19 = arith.constant 0 : index
    %get3A_20 = arith.constant 0 : index
    %get3A_21 = arith.constant 0 : index
    %get3A_22 = vector.load %arg3[%get3A_19, %get3A_20, %get3A_21] : memref<16x128x64xf32, #tpu.memory_space<vmem>>, vector<16x128x64xf32>
    %exp3A_23 = math.exp %get3A_22 : vector<16x128x64xf32>
    %swap3A_24 = arith.constant 0 : index
    %swap3A_25 = arith.constant 0 : index
    %swap3A_26 = arith.constant 0 : index
    %swap3A_27 = vector.load %arg14[%swap3A_24, %swap3A_25, %swap3A_26] : memref<16x128x64xf32, #tpu.memory_space<vmem>>, vector<16x128x64xf32>
    tpu.vector_store %arg14[%swap3A_24, %swap3A_25, %swap3A_26], %exp3A_23 {strides = array<i32>} : memref<16x128x64xf32, #tpu.memory_space<vmem>>, vector<16x128x64xf32>,
    %eq3A = arith.constant 0 : i32
    %eq3A_28 = arith.cmpi eq, %arg0, %eq3A : i32
    %convert_element_type3A_29 = arith.extui %eq3A_28 : i1 to i32
    %cond3A = arith.constant 0 : i32
    %cond3A_30 = arith.cmpi ne, %convert_element_type3A_29, %cond3A : i32
    scf.if %cond3A_30 {
      %get3A_70 = arith.constant 0 : index
      %get3A_71 = arith.constant 0 : index
      %get3A_72 = arith.constant 0 : index
      %get3A_73 = vector.load %arg2[%get3A_70, %get3A_71, %get3A_72] : memref<16x128x64xf32, #tpu.memory_space<vmem>>, vector<16x1x64xf32>
      %get3A_74 = vector.shape_cast %get3A_73 : vector<16x1x64xf32> to vector<16x64xf32>
      %get3A_75 = arith.constant 0 : index
      %get3A_76 = arith.constant 0 : index
      %get3A_77 = vector.load %arg6[%get3A_75, %get3A_76] : memref<8x64xf32, #tpu.memory_space<vmem>>, vector<1x64xf32>
      %add3A_78 = vector.broadcast %get3A_77 : vector<1x64xf32> to vector<16x64xf32>
      %add3A_79 = arith.addf %add3A_78, %get3A_74 : vector<16x64xf32>
      %reduce_max3A = arith.constant dense<0xFF800000> : vector<16xf32>
      %reduce_max3A_80 = vector.multi_reduction <maximumf>, %add3A_79, %reduce_max3A [1] : vector<16x64xf32> to vector<16xf32>
      %broadcast_in_dim3A_81 = vector.shape_cast %reduce_max3A_80 : vector<16xf32> to vector<16x1xf32>
      %sub3A_82 = vector.broadcast %broadcast_in_dim3A_81 : vector<16x1xf32> to vector<16x64xf32>
      %sub3A_83 = arith.subf %add3A_79, %sub3A_82 : vector<16x64xf32>
      %exp3A_84 = math.exp %sub3A_83 : vector<16x64xf32>
      %swap3A_85 = arith.constant 0 : index
      %swap3A_86 = arith.constant 0 : index
      %swap3A_87 = vector.load %arg9[%swap3A_85, %swap3A_86] : memref<16x64xf32, #tpu.memory_space<vmem>>, vector<16x64xf32>
      tpu.vector_store %arg9[%swap3A_85, %swap3A_86], %exp3A_84 {strides = array<i32>} : memref<16x64xf32, #tpu.memory_space<vmem>>, vector<16x64xf32>,
      %broadcast_in_dim3A_88 = vector.shape_cast %broadcast_in_dim3A_81 : vector<16x1xf32> to vector<16x1xf32>
      %broadcast_in_dim3A_89 = vector.broadcast %broadcast_in_dim3A_88 : vector<16x1xf32> to vector<16x64xf32>
      %swap3A_90 = arith.constant 0 : index
      %swap3A_91 = arith.constant 0 : index
      %swap3A_92 = vector.load %arg10[%swap3A_90, %swap3A_91] : memref<16x64xf32, #tpu.memory_space<vmem>>, vector<16x64xf32>
      tpu.vector_store %arg10[%swap3A_90, %swap3A_91], %broadcast_in_dim3A_89 {strides = array<i32>} : memref<16x64xf32, #tpu.memory_space<vmem>>, vector<16x64xf32>,
      %get3A_93 = arith.constant 0 : index
      %get3A_94 = arith.constant 0 : index
      %get3A_95 = vector.load %arg7[%get3A_93, %get3A_94] : memref<8x64xf32, #tpu.memory_space<vmem>>, vector<1x64xf32>
      %broadcast_in_dim3A_96 = vector.shape_cast %get3A_95 : vector<1x64xf32> to vector<1x64xf32>
      %broadcast_in_dim3A_97 = vector.broadcast %broadcast_in_dim3A_96 : vector<1x64xf32> to vector<16x64xf32>
      %reduce_max3A_98 = arith.constant dense<0xFF800000> : vector<16xf32>
      %reduce_max3A_99 = vector.multi_reduction <maximumf>, %broadcast_in_dim3A_97, %reduce_max3A_98 [1] : vector<16x64xf32> to vector<16xf32>
      %broadcast_in_dim3A_100 = vector.shape_cast %reduce_max3A_99 : vector<16xf32> to vector<16x1xf32>
      %sub3A_101 = vector.broadcast %broadcast_in_dim3A_100 : vector<16x1xf32> to vector<16x64xf32>
      %sub3A_102 = arith.subf %broadcast_in_dim3A_97, %sub3A_101 : vector<16x64xf32>
      %exp3A_103 = math.exp %sub3A_102 : vector<16x64xf32>
      %swap3A_104 = arith.constant 0 : index
      %swap3A_105 = arith.constant 0 : index
      %swap3A_106 = vector.load %arg11[%swap3A_104, %swap3A_105] : memref<16x64xf32, #tpu.memory_space<vmem>>, vector<16x64xf32>
      tpu.vector_store %arg11[%swap3A_104, %swap3A_105], %exp3A_103 {strides = array<i32>} : memref<16x64xf32, #tpu.memory_space<vmem>>, vector<16x64xf32>,
      %broadcast_in_dim3A_107 = vector.shape_cast %broadcast_in_dim3A_100 : vector<16x1xf32> to vector<16x1xf32>
      %broadcast_in_dim3A_108 = vector.broadcast %broadcast_in_dim3A_107 : vector<16x1xf32> to vector<16x64xf32>
      %swap3A_109 = arith.constant 0 : index
      %swap3A_110 = arith.constant 0 : index
      %swap3A_111 = vector.load %arg12[%swap3A_109, %swap3A_110] : memref<16x64xf32, #tpu.memory_space<vmem>>, vector<16x64xf32>
      tpu.vector_store %arg12[%swap3A_109, %swap3A_110], %broadcast_in_dim3A_108 {strides = array<i32>} : memref<16x64xf32, #tpu.memory_space<vmem>>, vector<16x64xf32>,
    } else {
    }
    %mul3A = arith.constant 128 : i32
    %mul3A_31 = arith.muli %arg0, %mul3A : i32
    %add3A = arith.constant 1 : i32
    %add3A_32 = arith.addi %arg0, %add3A : i32
    %mul3A_33 = arith.constant 128 : i32
    %mul3A_34 = arith.muli %add3A_32, %mul3A_33 : i32
    %sub3A = arith.constant 2048 : i32
    %sub3A_35 = arith.subi %sub3A, %mul3A_34 : i32
    %get3A_36 = arith.constant 0 : index
    %get3A_37 = arith.constant 0 : index
    %get3A_38 = vector.load %arg9[%get3A_36, %get3A_37] : memref<16x64xf32, #tpu.memory_space<vmem>>, vector<16x64xf32>
    %get3A_39 = arith.constant 0 : index
    %get3A_40 = arith.constant 0 : index
    %get3A_41 = vector.load %arg10[%get3A_39, %get3A_40] : memref<16x64xf32, #tpu.memory_space<vmem>>, vector<16x64xf32>
    %get3A_42 = arith.constant 0 : index
    %get3A_43 = arith.constant 0 : index
    %get3A_44 = vector.load %arg11[%get3A_42, %get3A_43] : memref<16x64xf32, #tpu.memory_space<vmem>>, vector<16x64xf32>
    %get3A_45 = arith.constant 0 : index
    %get3A_46 = arith.constant 0 : index
    %get3A_47 = vector.load %arg12[%get3A_45, %get3A_46] : memref<16x64xf32, #tpu.memory_space<vmem>>, vector<16x64xf32>
    %scan3A = arith.constant 0 : i32
    %scan3A_48 = arith.constant 8 : i32
    %scan3A_49 = arith.addi %scan3A, %scan3A_48 : i32
    %scan3A_50 = arith.constant 1 : i32
    %scan3A_51:4 = scf.for %scan3A_70 = %scan3A to %scan3A_49 step %scan3A_50 iter_args(%scan3A_71 = %get3A_38, %scan3A_72 = %get3A_41, %scan3A_73 = %get3A_44, %scan3A_74 = %get3A_47) -> (vector<16x64xf32>, vector<16x64xf32>, vector<16x64xf32>, vector<16x64xf32>)  : i32 {
      %mul3A_75 = arith.constant 2 : i32
      %mul3A_76 = arith.muli %mul3A_75, %scan3A_70 : i32
      %add3A_77 = arith.constant 1 : i32
      %add3A_78 = arith.addi %mul3A_76, %add3A_77 : i32
      %mul3A_79 = arith.constant 2 : i32
      %mul3A_80 = arith.muli %mul3A_79, %scan3A_70 : i32
      %mul3A_81 = arith.constant 8 : i32
      %mul3A_82 = arith.muli %mul3A_80, %mul3A_81 : i32
      %add3A_83 = arith.constant 0 : i32
      %add3A_84 = arith.addi %mul3A_82, %add3A_83 : i32
      %sub3A_85 = arith.constant 127 : i32
      %sub3A_86 = arith.subi %sub3A_85, %add3A_84 : i32
      %add3A_87 = arith.addi %mul3A_31, %add3A_84 : i32
      %add3A_88 = arith.addi %sub3A_35, %sub3A_86 : i32
      %get3A_89 = arith.constant 0 : index
      %get3A_90 = arith.index_cast %add3A_84 : i32 to index
      %get3A_91 = arith.constant 0 : index
      %get3A_92 = vector.load %arg13[%get3A_89, %get3A_90, %get3A_91] : memref<16x128x64xf32, #tpu.memory_space<vmem>>, vector<16x1x64xf32>
      %get3A_93 = vector.shape_cast %get3A_92 : vector<16x1x64xf32> to vector<16x64xf32>
      %get3A_94 = arith.constant 0 : index
      %get3A_95 = arith.index_cast %sub3A_86 : i32 to index
      %get3A_96 = arith.constant 0 : index
      %get3A_97 = vector.load %arg14[%get3A_94, %get3A_95, %get3A_96] : memref<16x128x64xf32, #tpu.memory_space<vmem>>, vector<16x1x64xf32>
      %get3A_98 = vector.shape_cast %get3A_97 : vector<16x1x64xf32> to vector<16x64xf32>
      %ge3A = arith.constant 1 : i32
      %ge3A_99 = arith.cmpi sge, %add3A_87, %ge3A : i32
      %lt3A = vector.broadcast %add3A_87 : i32 to vector<16x64xi32>
      %lt3A_100 = arith.cmpi slt, %lt3A, %broadcast_in_dim3A_10 : vector<16x64xi32>
      %and3A = vector.broadcast %ge3A_99 : i1 to vector<16x64xi1>
      %and3A_101 = arith.andi %and3A, %lt3A_100 : vector<16x64xi1>
      %lt3A_102 = vector.broadcast %add3A_88 : i32 to vector<16x64xi32>
      %lt3A_103 = arith.cmpi slt, %lt3A_102, %broadcast_in_dim3A_10 : vector<16x64xi32>
      %convert_element_type3A_104 = arith.truncf %scan3A_71 : vector<16x64xf32> to vector<16x64xbf16>
      %dot_general3A = arith.constant dense<0.000000e+00> : vector<16x64xf32>
      %dot_general3A_105 = tpu.matmul %convert_element_type3A_104, %convert_element_type3A, %dot_general3A {dimension_numbers = #tpu.dot_dimension_numbers<[1], [0], [0], [1], [0, 0, 1, 1], [], []>, transpose_lhs_hint = false} : vector<16x64xbf16>, vector<64x64xbf16>, vector<16x64xf32> -> vector<16x64xf32>
      %mul3A_106 = arith.mulf %scan3A_73, %get3A_98 : vector<16x64xf32>
      %convert_element_type3A_107 = arith.truncf %mul3A_106 : vector<16x64xf32> to vector<16x64xbf16>
      %dot_general3A_108 = arith.constant dense<0.000000e+00> : vector<16x64xf32>
      %dot_general3A_109 = tpu.matmul %convert_element_type3A_107, %convert_element_type3A_6, %dot_general3A_108 {dimension_numbers = #tpu.dot_dimension_numbers<[1], [0], [0], [1], [0, 0, 1, 1], [], []>, transpose_lhs_hint = false} : vector<16x64xbf16>, vector<64x64xbf16>, vector<16x64xf32> -> vector<16x64xf32>
      %mul3A_110 = arith.mulf %dot_general3A_105, %get3A_93 : vector<16x64xf32>
      %select_n3A = arith.select %and3A_101, %mul3A_110, %scan3A_71 : vector<16x64xi1>, vector<16x64xf32>
      %select_n3A_111 = arith.select %lt3A_103, %dot_general3A_109, %scan3A_73 : vector<16x64xi1>, vector<16x64xf32>
      %mul3A_112 = arith.constant 8 : i32
      %mul3A_113 = arith.muli %mul3A_80, %mul3A_112 : i32
      %add3A_114 = arith.constant 1 : i32
      %add3A_115 = arith.addi %mul3A_113, %add3A_114 : i32
      %sub3A_116 = arith.constant 127 : i32
      %sub3A_117 = arith.subi %sub3A_116, %add3A_115 : i32
      %add3A_118 = arith.addi %mul3A_31, %add3A_115 : i32
      %add3A_119 = arith.addi %sub3A_35, %sub3A_117 : i32
      %get3A_120 = arith.constant 0 : index
      %get3A_121 = arith.index_cast %add3A_115 : i32 to index
      %get3A_122 = arith.constant 0 : index
      %get3A_123 = vector.load %arg13[%get3A_120, %get3A_121, %get3A_122] : memref<16x128x64xf32, #tpu.memory_space<vmem>>, vector<16x1x64xf32>
      %get3A_124 = vector.shape_cast %get3A_123 : vector<16x1x64xf32> to vector<16x64xf32>
      %get3A_125 = arith.constant 0 : index
      %get3A_126 = arith.index_cast %sub3A_117 : i32 to index
      %get3A_127 = arith.constant 0 : index
      %get3A_128 = vector.load %arg14[%get3A_125, %get3A_126, %get3A_127] : memref<16x128x64xf32, #tpu.memory_space<vmem>>, vector<16x1x64xf32>
      %get3A_129 = vector.shape_cast %get3A_128 : vector<16x1x64xf32> to vector<16x64xf32>
      %ge3A_130 = arith.constant 1 : i32
      %ge3A_131 = arith.cmpi sge, %add3A_118, %ge3A_130 : i32
      %lt3A_132 = vector.broadcast %add3A_118 : i32 to vector<16x64xi32>
      %lt3A_133 = arith.cmpi slt, %lt3A_132, %broadcast_in_dim3A_10 : vector<16x64xi32>
      %and3A_134 = vector.broadcast %ge3A_131 : i1 to vector<16x64xi1>
      %and3A_135 = arith.andi %and3A_134, %lt3A_133 : vector<16x64xi1>
      %lt3A_136 = vector.broadcast %add3A_119 : i32 to vector<16x64xi32>
      %lt3A_137 = arith.cmpi slt, %lt3A_136, %broadcast_in_dim3A_10 : vector<16x64xi32>
      %convert_element_type3A_138 = arith.truncf %select_n3A : vector<16x64xf32> to vector<16x64xbf16>
      %dot_general3A_139 = arith.constant dense<0.000000e+00> : vector<16x64xf32>
      %dot_general3A_140 = tpu.matmul %convert_element_type3A_138, %convert_element_type3A, %dot_general3A_139 {dimension_numbers = #tpu.dot_dimension_numbers<[1], [0], [0], [1], [0, 0, 1, 1], [], []>, transpose_lhs_hint = false} : vector<16x64xbf16>, vector<64x64xbf16>, vector<16x64xf32> -> vector<16x64xf32>
      %mul3A_141 = arith.mulf %select_n3A_111, %get3A_129 : vector<16x64xf32>
      %convert_element_type3A_142 = arith.truncf %mul3A_141 : vector<16x64xf32> to vector<16x64xbf16>
      %dot_general3A_143 = arith.constant dense<0.000000e+00> : vector<16x64xf32>
      %dot_general3A_144 = tpu.matmul %convert_element_type3A_142, %convert_element_type3A_6, %dot_general3A_143 {dimension_numbers = #tpu.dot_dimension_numbers<[1], [0], [0], [1], [0, 0, 1, 1], [], []>, transpose_lhs_hint = false} : vector<16x64xbf16>, vector<64x64xbf16>, vector<16x64xf32> -> vector<16x64xf32>
      %mul3A_145 = arith.mulf %dot_general3A_140, %get3A_124 : vector<16x64xf32>
      %select_n3A_146 = arith.select %and3A_135, %mul3A_145, %select_n3A : vector<16x64xi1>, vector<16x64xf32>
      %select_n3A_147 = arith.select %lt3A_137, %dot_general3A_144, %select_n3A_111 : vector<16x64xi1>, vector<16x64xf32>
      %mul3A_148 = arith.constant 8 : i32
      %mul3A_149 = arith.muli %mul3A_80, %mul3A_148 : i32
      %add3A_150 = arith.constant 2 : i32
      %add3A_151 = arith.addi %mul3A_149, %add3A_150 : i32
      %sub3A_152 = arith.constant 127 : i32
      %sub3A_153 = arith.subi %sub3A_152, %add3A_151 : i32
      %add3A_154 = arith.addi %mul3A_31, %add3A_151 : i32
      %add3A_155 = arith.addi %sub3A_35, %sub3A_153 : i32
      %get3A_156 = arith.constant 0 : index
      %get3A_157 = arith.index_cast %add3A_151 : i32 to index
      %get3A_158 = arith.constant 0 : index
      %get3A_159 = vector.load %arg13[%get3A_156, %get3A_157, %get3A_158] : memref<16x128x64xf32, #tpu.memory_space<vmem>>, vector<16x1x64xf32>
      %get3A_160 = vector.shape_cast %get3A_159 : vector<16x1x64xf32> to vector<16x64xf32>
      %get3A_161 = arith.constant 0 : index
      %get3A_162 = arith.index_cast %sub3A_153 : i32 to index
      %get3A_163 = arith.constant 0 : index
      %get3A_164 = vector.load %arg14[%get3A_161, %get3A_162, %get3A_163] : memref<16x128x64xf32, #tpu.memory_space<vmem>>, vector<16x1x64xf32>
      %get3A_165 = vector.shape_cast %get3A_164 : vector<16x1x64xf32> to vector<16x64xf32>
      %ge3A_166 = arith.constant 1 : i32
      %ge3A_167 = arith.cmpi sge, %add3A_154, %ge3A_166 : i32
      %lt3A_168 = vector.broadcast %add3A_154 : i32 to vector<16x64xi32>
      %lt3A_169 = arith.cmpi slt, %lt3A_168, %broadcast_in_dim3A_10 : vector<16x64xi32>
      %and3A_170 = vector.broadcast %ge3A_167 : i1 to vector<16x64xi1>
      %and3A_171 = arith.andi %and3A_170, %lt3A_169 : vector<16x64xi1>
      %lt3A_172 = vector.broadcast %add3A_155 : i32 to vector<16x64xi32>
      %lt3A_173 = arith.cmpi slt, %lt3A_172, %broadcast_in_dim3A_10 : vector<16x64xi32>
      %convert_element_type3A_174 = arith.truncf %select_n3A_146 : vector<16x64xf32> to vector<16x64xbf16>
      %dot_general3A_175 = arith.constant dense<0.000000e+00> : vector<16x64xf32>
      %dot_general3A_176 = tpu.matmul %convert_element_type3A_174, %convert_element_type3A, %dot_general3A_175 {dimension_numbers = #tpu.dot_dimension_numbers<[1], [0], [0], [1], [0, 0, 1, 1], [], []>, transpose_lhs_hint = false} : vector<16x64xbf16>, vector<64x64xbf16>, vector<16x64xf32> -> vector<16x64xf32>
      %mul3A_177 = arith.mulf %select_n3A_147, %get3A_165 : vector<16x64xf32>
      %convert_element_type3A_178 = arith.truncf %mul3A_177 : vector<16x64xf32> to vector<16x64xbf16>
      %dot_general3A_179 = arith.constant dense<0.000000e+00> : vector<16x64xf32>
      %dot_general3A_180 = tpu.matmul %convert_element_type3A_178, %convert_element_type3A_6, %dot_general3A_179 {dimension_numbers = #tpu.dot_dimension_numbers<[1], [0], [0], [1], [0, 0, 1, 1], [], []>, transpose_lhs_hint = false} : vector<16x64xbf16>, vector<64x64xbf16>, vector<16x64xf32> -> vector<16x64xf32>
      %mul3A_181 = arith.mulf %dot_general3A_176, %get3A_160 : vector<16x64xf32>
      %select_n3A_182 = arith.select %and3A_171, %mul3A_181, %select_n3A_146 : vector<16x64xi1>, vector<16x64xf32>
      %select_n3A_183 = arith.select %lt3A_173, %dot_general3A_180, %select_n3A_147 : vector<16x64xi1>, vector<16x64xf32>
      %mul3A_184 = arith.constant 8 : i32
      %mul3A_185 = arith.muli %mul3A_80, %mul3A_184 : i32
      %add3A_186 = arith.constant 3 : i32
      %add3A_187 = arith.addi %mul3A_185, %add3A_186 : i32
      %sub3A_188 = arith.constant 127 : i32
      %sub3A_189 = arith.subi %sub3A_188, %add3A_187 : i32
      %add3A_190 = arith.addi %mul3A_31, %add3A_187 : i32
      %add3A_191 = arith.addi %sub3A_35, %sub3A_189 : i32
      %get3A_192 = arith.constant 0 : index
      %get3A_193 = arith.index_cast %add3A_187 : i32 to index
      %get3A_194 = arith.constant 0 : index
      %get3A_195 = vector.load %arg13[%get3A_192, %get3A_193, %get3A_194] : memref<16x128x64xf32, #tpu.memory_space<vmem>>, vector<16x1x64xf32>
      %get3A_196 = vector.shape_cast %get3A_195 : vector<16x1x64xf32> to vector<16x64xf32>
      %get3A_197 = arith.constant 0 : index
      %get3A_198 = arith.index_cast %sub3A_189 : i32 to index
      %get3A_199 = arith.constant 0 : index
      %get3A_200 = vector.load %arg14[%get3A_197, %get3A_198, %get3A_199] : memref<16x128x64xf32, #tpu.memory_space<vmem>>, vector<16x1x64xf32>
      %get3A_201 = vector.shape_cast %get3A_200 : vector<16x1x64xf32> to vector<16x64xf32>
      %ge3A_202 = arith.constant 1 : i32
      %ge3A_203 = arith.cmpi sge, %add3A_190, %ge3A_202 : i32
      %lt3A_204 = vector.broadcast %add3A_190 : i32 to vector<16x64xi32>
      %lt3A_205 = arith.cmpi slt, %lt3A_204, %broadcast_in_dim3A_10 : vector<16x64xi32>
      %and3A_206 = vector.broadcast %ge3A_203 : i1 to vector<16x64xi1>
      %and3A_207 = arith.andi %and3A_206, %lt3A_205 : vector<16x64xi1>
      %lt3A_208 = vector.broadcast %add3A_191 : i32 to vector<16x64xi32>
      %lt3A_209 = arith.cmpi slt, %lt3A_208, %broadcast_in_dim3A_10 : vector<16x64xi32>
      %convert_element_type3A_210 = arith.truncf %select_n3A_182 : vector<16x64xf32> to vector<16x64xbf16>
      %dot_general3A_211 = arith.constant dense<0.000000e+00> : vector<16x64xf32>
      %dot_general3A_212 = tpu.matmul %convert_element_type3A_210, %convert_element_type3A, %dot_general3A_211 {dimension_numbers = #tpu.dot_dimension_numbers<[1], [0], [0], [1], [0, 0, 1, 1], [], []>, transpose_lhs_hint = false} : vector<16x64xbf16>, vector<64x64xbf16>, vector<16x64xf32> -> vector<16x64xf32>
      %mul3A_213 = arith.mulf %select_n3A_183, %get3A_201 : vector<16x64xf32>
      %convert_element_type3A_214 = arith.truncf %mul3A_213 : vector<16x64xf32> to vector<16x64xbf16>
      %dot_general3A_215 = arith.constant dense<0.000000e+00> : vector<16x64xf32>
      %dot_general3A_216 = tpu.matmul %convert_element_type3A_214, %convert_element_type3A_6, %dot_general3A_215 {dimension_numbers = #tpu.dot_dimension_numbers<[1], [0], [0], [1], [0, 0, 1, 1], [], []>, transpose_lhs_hint = false} : vector<16x64xbf16>, vector<64x64xbf16>, vector<16x64xf32> -> vector<16x64xf32>
      %mul3A_217 = arith.mulf %dot_general3A_212, %get3A_196 : vector<16x64xf32>
      %select_n3A_218 = arith.select %and3A_207, %mul3A_217, %select_n3A_182 : vector<16x64xi1>, vector<16x64xf32>
      %select_n3A_219 = arith.select %lt3A_209, %dot_general3A_216, %select_n3A_183 : vector<16x64xi1>, vector<16x64xf32>
      %mul3A_220 = arith.constant 8 : i32
      %mul3A_221 = arith.muli %mul3A_80, %mul3A_220 : i32
      %add3A_222 = arith.constant 4 : i32
      %add3A_223 = arith.addi %mul3A_221, %add3A_222 : i32
      %sub3A_224 = arith.constant 127 : i32
      %sub3A_225 = arith.subi %sub3A_224, %add3A_223 : i32
      %add3A_226 = arith.addi %mul3A_31, %add3A_223 : i32
      %add3A_227 = arith.addi %sub3A_35, %sub3A_225 : i32
      %get3A_228 = arith.constant 0 : index
      %get3A_229 = arith.index_cast %add3A_223 : i32 to index
      %get3A_230 = arith.constant 0 : index
      %get3A_231 = vector.load %arg13[%get3A_228, %get3A_229, %get3A_230] : memref<16x128x64xf32, #tpu.memory_space<vmem>>, vector<16x1x64xf32>
      %get3A_232 = vector.shape_cast %get3A_231 : vector<16x1x64xf32> to vector<16x64xf32>
      %get3A_233 = arith.constant 0 : index
      %get3A_234 = arith.index_cast %sub3A_225 : i32 to index
      %get3A_235 = arith.constant 0 : index
      %get3A_236 = vector.load %arg14[%get3A_233, %get3A_234, %get3A_235] : memref<16x128x64xf32, #tpu.memory_space<vmem>>, vector<16x1x64xf32>
      %get3A_237 = vector.shape_cast %get3A_236 : vector<16x1x64xf32> to vector<16x64xf32>
      %ge3A_238 = arith.constant 1 : i32
      %ge3A_239 = arith.cmpi sge, %add3A_226, %ge3A_238 : i32
      %lt3A_240 = vector.broadcast %add3A_226 : i32 to vector<16x64xi32>
      %lt3A_241 = arith.cmpi slt, %lt3A_240, %broadcast_in_dim3A_10 : vector<16x64xi32>
      %and3A_242 = vector.broadcast %ge3A_239 : i1 to vector<16x64xi1>
      %and3A_243 = arith.andi %and3A_242, %lt3A_241 : vector<16x64xi1>
      %lt3A_244 = vector.broadcast %add3A_227 : i32 to vector<16x64xi32>
      %lt3A_245 = arith.cmpi slt, %lt3A_244, %broadcast_in_dim3A_10 : vector<16x64xi32>
      %convert_element_type3A_246 = arith.truncf %select_n3A_218 : vector<16x64xf32> to vector<16x64xbf16>
      %dot_general3A_247 = arith.constant dense<0.000000e+00> : vector<16x64xf32>
      %dot_general3A_248 = tpu.matmul %convert_element_type3A_246, %convert_element_type3A, %dot_general3A_247 {dimension_numbers = #tpu.dot_dimension_numbers<[1], [0], [0], [1], [0, 0, 1, 1], [], []>, transpose_lhs_hint = false} : vector<16x64xbf16>, vector<64x64xbf16>, vector<16x64xf32> -> vector<16x64xf32>
      %mul3A_249 = arith.mulf %select_n3A_219, %get3A_237 : vector<16x64xf32>
      %convert_element_type3A_250 = arith.truncf %mul3A_249 : vector<16x64xf32> to vector<16x64xbf16>
      %dot_general3A_251 = arith.constant dense<0.000000e+00> : vector<16x64xf32>
      %dot_general3A_252 = tpu.matmul %convert_element_type3A_250, %convert_element_type3A_6, %dot_general3A_251 {dimension_numbers = #tpu.dot_dimension_numbers<[1], [0], [0], [1], [0, 0, 1, 1], [], []>, transpose_lhs_hint = false} : vector<16x64xbf16>, vector<64x64xbf16>, vector<16x64xf32> -> vector<16x64xf32>
      %mul3A_253 = arith.mulf %dot_general3A_248, %get3A_232 : vector<16x64xf32>
      %select_n3A_254 = arith.select %and3A_243, %mul3A_253, %select_n3A_218 : vector<16x64xi1>, vector<16x64xf32>
      %select_n3A_255 = arith.select %lt3A_245, %dot_general3A_252, %select_n3A_219 : vector<16x64xi1>, vector<16x64xf32>
      %mul3A_256 = arith.constant 8 : i32
      %mul3A_257 = arith.muli %mul3A_80, %mul3A_256 : i32
      %add3A_258 = arith.constant 5 : i32
      %add3A_259 = arith.addi %mul3A_257, %add3A_258 : i32
      %sub3A_260 = arith.constant 127 : i32
      %sub3A_261 = arith.subi %sub3A_260, %add3A_259 : i32
      %add3A_262 = arith.addi %mul3A_31, %add3A_259 : i32
      %add3A_263 = arith.addi %sub3A_35, %sub3A_261 : i32
      %get3A_264 = arith.constant 0 : index
      %get3A_265 = arith.index_cast %add3A_259 : i32 to index
      %get3A_266 = arith.constant 0 : index
      %get3A_267 = vector.load %arg13[%get3A_264, %get3A_265, %get3A_266] : memref<16x128x64xf32, #tpu.memory_space<vmem>>, vector<16x1x64xf32>
      %get3A_268 = vector.shape_cast %get3A_267 : vector<16x1x64xf32> to vector<16x64xf32>
      %get3A_269 = arith.constant 0 : index
      %get3A_270 = arith.index_cast %sub3A_261 : i32 to index
      %get3A_271 = arith.constant 0 : index
      %get3A_272 = vector.load %arg14[%get3A_269, %get3A_270, %get3A_271] : memref<16x128x64xf32, #tpu.memory_space<vmem>>, vector<16x1x64xf32>
      %get3A_273 = vector.shape_cast %get3A_272 : vector<16x1x64xf32> to vector<16x64xf32>
      %ge3A_274 = arith.constant 1 : i32
      %ge3A_275 = arith.cmpi sge, %add3A_262, %ge3A_274 : i32
      %lt3A_276 = vector.broadcast %add3A_262 : i32 to vector<16x64xi32>
      %lt3A_277 = arith.cmpi slt, %lt3A_276, %broadcast_in_dim3A_10 : vector<16x64xi32>
      %and3A_278 = vector.broadcast %ge3A_275 : i1 to vector<16x64xi1>
      %and3A_279 = arith.andi %and3A_278, %lt3A_277 : vector<16x64xi1>
      %lt3A_280 = vector.broadcast %add3A_263 : i32 to vector<16x64xi32>
      %lt3A_281 = arith.cmpi slt, %lt3A_280, %broadcast_in_dim3A_10 : vector<16x64xi32>
      %convert_element_type3A_282 = arith.truncf %select_n3A_254 : vector<16x64xf32> to vector<16x64xbf16>
      %dot_general3A_283 = arith.constant dense<0.000000e+00> : vector<16x64xf32>
      %dot_general3A_284 = tpu.matmul %convert_element_type3A_282, %convert_element_type3A, %dot_general3A_283 {dimension_numbers = #tpu.dot_dimension_numbers<[1], [0], [0], [1], [0, 0, 1, 1], [], []>, transpose_lhs_hint = false} : vector<16x64xbf16>, vector<64x64xbf16>, vector<16x64xf32> -> vector<16x64xf32>
      %mul3A_285 = arith.mulf %select_n3A_255, %get3A_273 : vector<16x64xf32>
      %convert_element_type3A_286 = arith.truncf %mul3A_285 : vector<16x64xf32> to vector<16x64xbf16>
      %dot_general3A_287 = arith.constant dense<0.000000e+00> : vector<16x64xf32>
      %dot_general3A_288 = tpu.matmul %convert_element_type3A_286, %convert_element_type3A_6, %dot_general3A_287 {dimension_numbers = #tpu.dot_dimension_numbers<[1], [0], [0], [1], [0, 0, 1, 1], [], []>, transpose_lhs_hint = false} : vector<16x64xbf16>, vector<64x64xbf16>, vector<16x64xf32> -> vector<16x64xf32>
      %mul3A_289 = arith.mulf %dot_general3A_284, %get3A_268 : vector<16x64xf32>
      %select_n3A_290 = arith.select %and3A_279, %mul3A_289, %select_n3A_254 : vector<16x64xi1>, vector<16x64xf32>
      %select_n3A_291 = arith.select %lt3A_281, %dot_general3A_288, %select_n3A_255 : vector<16x64xi1>, vector<16x64xf32>
      %mul3A_292 = arith.constant 8 : i32
      %mul3A_293 = arith.muli %mul3A_80, %mul3A_292 : i32
      %add3A_294 = arith.constant 6 : i32
      %add3A_295 = arith.addi %mul3A_293, %add3A_294 : i32
      %sub3A_296 = arith.constant 127 : i32
      %sub3A_297 = arith.subi %sub3A_296, %add3A_295 : i32
      %add3A_298 = arith.addi %mul3A_31, %add3A_295 : i32
      %add3A_299 = arith.addi %sub3A_35, %sub3A_297 : i32
      %get3A_300 = arith.constant 0 : index
      %get3A_301 = arith.index_cast %add3A_295 : i32 to index
      %get3A_302 = arith.constant 0 : index
      %get3A_303 = vector.load %arg13[%get3A_300, %get3A_301, %get3A_302] : memref<16x128x64xf32, #tpu.memory_space<vmem>>, vector<16x1x64xf32>
      %get3A_304 = vector.shape_cast %get3A_303 : vector<16x1x64xf32> to vector<16x64xf32>
      %get3A_305 = arith.constant 0 : index
      %get3A_306 = arith.index_cast %sub3A_297 : i32 to index
      %get3A_307 = arith.constant 0 : index
      %get3A_308 = vector.load %arg14[%get3A_305, %get3A_306, %get3A_307] : memref<16x128x64xf32, #tpu.memory_space<vmem>>, vector<16x1x64xf32>
      %get3A_309 = vector.shape_cast %get3A_308 : vector<16x1x64xf32> to vector<16x64xf32>
      %ge3A_310 = arith.constant 1 : i32
      %ge3A_311 = arith.cmpi sge, %add3A_298, %ge3A_310 : i32
      %lt3A_312 = vector.broadcast %add3A_298 : i32 to vector<16x64xi32>
      %lt3A_313 = arith.cmpi slt, %lt3A_312, %broadcast_in_dim3A_10 : vector<16x64xi32>
      %and3A_314 = vector.broadcast %ge3A_311 : i1 to vector<16x64xi1>
      %and3A_315 = arith.andi %and3A_314, %lt3A_313 : vector<16x64xi1>
      %lt3A_316 = vector.broadcast %add3A_299 : i32 to vector<16x64xi32>
      %lt3A_317 = arith.cmpi slt, %lt3A_316, %broadcast_in_dim3A_10 : vector<16x64xi32>
      %convert_element_type3A_318 = arith.truncf %select_n3A_290 : vector<16x64xf32> to vector<16x64xbf16>
      %dot_general3A_319 = arith.constant dense<0.000000e+00> : vector<16x64xf32>
      %dot_general3A_320 = tpu.matmul %convert_element_type3A_318, %convert_element_type3A, %dot_general3A_319 {dimension_numbers = #tpu.dot_dimension_numbers<[1], [0], [0], [1], [0, 0, 1, 1], [], []>, transpose_lhs_hint = false} : vector<16x64xbf16>, vector<64x64xbf16>, vector<16x64xf32> -> vector<16x64xf32>
      %mul3A_321 = arith.mulf %select_n3A_291, %get3A_309 : vector<16x64xf32>
      %convert_element_type3A_322 = arith.truncf %mul3A_321 : vector<16x64xf32> to vector<16x64xbf16>
      %dot_general3A_323 = arith.constant dense<0.000000e+00> : vector<16x64xf32>
      %dot_general3A_324 = tpu.matmul %convert_element_type3A_322, %convert_element_type3A_6, %dot_general3A_323 {dimension_numbers = #tpu.dot_dimension_numbers<[1], [0], [0], [1], [0, 0, 1, 1], [], []>, transpose_lhs_hint = false} : vector<16x64xbf16>, vector<64x64xbf16>, vector<16x64xf32> -> vector<16x64xf32>
      %mul3A_325 = arith.mulf %dot_general3A_320, %get3A_304 : vector<16x64xf32>
      %select_n3A_326 = arith.select %and3A_315, %mul3A_325, %select_n3A_290 : vector<16x64xi1>, vector<16x64xf32>
      %select_n3A_327 = arith.select %lt3A_317, %dot_general3A_324, %select_n3A_291 : vector<16x64xi1>, vector<16x64xf32>
      %mul3A_328 = arith.constant 8 : i32
      %mul3A_329 = arith.muli %mul3A_80, %mul3A_328 : i32
      %add3A_330 = arith.constant 7 : i32
      %add3A_331 = arith.addi %mul3A_329, %add3A_330 : i32
      %sub3A_332 = arith.constant 127 : i32
      %sub3A_333 = arith.subi %sub3A_332, %add3A_331 : i32
      %add3A_334 = arith.addi %mul3A_31, %add3A_331 : i32
      %add3A_335 = arith.addi %sub3A_35, %sub3A_333 : i32
      %get3A_336 = arith.constant 0 : index
      %get3A_337 = arith.index_cast %add3A_331 : i32 to index
      %get3A_338 = arith.constant 0 : index
      %get3A_339 = vector.load %arg13[%get3A_336, %get3A_337, %get3A_338] : memref<16x128x64xf32, #tpu.memory_space<vmem>>, vector<16x1x64xf32>
      %get3A_340 = vector.shape_cast %get3A_339 : vector<16x1x64xf32> to vector<16x64xf32>
      %get3A_341 = arith.constant 0 : index
      %get3A_342 = arith.index_cast %sub3A_333 : i32 to index
      %get3A_343 = arith.constant 0 : index
      %get3A_344 = vector.load %arg14[%get3A_341, %get3A_342, %get3A_343] : memref<16x128x64xf32, #tpu.memory_space<vmem>>, vector<16x1x64xf32>
      %get3A_345 = vector.shape_cast %get3A_344 : vector<16x1x64xf32> to vector<16x64xf32>
      %ge3A_346 = arith.constant 1 : i32
      %ge3A_347 = arith.cmpi sge, %add3A_334, %ge3A_346 : i32
      %lt3A_348 = vector.broadcast %add3A_334 : i32 to vector<16x64xi32>
      %lt3A_349 = arith.cmpi slt, %lt3A_348, %broadcast_in_dim3A_10 : vector<16x64xi32>
      %and3A_350 = vector.broadcast %ge3A_347 : i1 to vector<16x64xi1>
      %and3A_351 = arith.andi %and3A_350, %lt3A_349 : vector<16x64xi1>
      %lt3A_352 = vector.broadcast %add3A_335 : i32 to vector<16x64xi32>
      %lt3A_353 = arith.cmpi slt, %lt3A_352, %broadcast_in_dim3A_10 : vector<16x64xi32>
      %convert_element_type3A_354 = arith.truncf %select_n3A_326 : vector<16x64xf32> to vector<16x64xbf16>
      %dot_general3A_355 = arith.constant dense<0.000000e+00> : vector<16x64xf32>
      %dot_general3A_356 = tpu.matmul %convert_element_type3A_354, %convert_element_type3A, %dot_general3A_355 {dimension_numbers = #tpu.dot_dimension_numbers<[1], [0], [0], [1], [0, 0, 1, 1], [], []>, transpose_lhs_hint = false} : vector<16x64xbf16>, vector<64x64xbf16>, vector<16x64xf32> -> vector<16x64xf32>
      %mul3A_357 = arith.mulf %select_n3A_327, %get3A_345 : vector<16x64xf32>
      %convert_element_type3A_358 = arith.truncf %mul3A_357 : vector<16x64xf32> to vector<16x64xbf16>
      %dot_general3A_359 = arith.constant dense<0.000000e+00> : vector<16x64xf32>
      %dot_general3A_360 = tpu.matmul %convert_element_type3A_358, %convert_element_type3A_6, %dot_general3A_359 {dimension_numbers = #tpu.dot_dimension_numbers<[1], [0], [0], [1], [0, 0, 1, 1], [], []>, transpose_lhs_hint = false} : vector<16x64xbf16>, vector<64x64xbf16>, vector<16x64xf32> -> vector<16x64xf32>
      %mul3A_361 = arith.mulf %dot_general3A_356, %get3A_340 : vector<16x64xf32>
      %select_n3A_362 = arith.select %and3A_351, %mul3A_361, %select_n3A_326 : vector<16x64xi1>, vector<16x64xf32>
      %select_n3A_363 = arith.select %lt3A_353, %dot_general3A_360, %select_n3A_327 : vector<16x64xi1>, vector<16x64xf32>
      %reduce_max3A = arith.constant dense<0xFF800000> : vector<16xf32>
      %reduce_max3A_364 = vector.multi_reduction <maximumf>, %select_n3A_362, %reduce_max3A [1] : vector<16x64xf32> to vector<16xf32>
      %broadcast_in_dim3A_365 = vector.shape_cast %reduce_max3A_364 : vector<16xf32> to vector<16x1xf32>
      %log3A = math.log %broadcast_in_dim3A_365 : vector<16x1xf32>
      %add3A_366 = vector.broadcast %log3A : vector<16x1xf32> to vector<16x64xf32>
      %add3A_367 = arith.addf %scan3A_72, %add3A_366 : vector<16x64xf32>
      %div3A = arith.constant 1.000000e+00 : f32
      %div3A_368 = vector.broadcast %div3A : f32 to vector<16x1xf32>
      %div3A_369 = arith.divf %div3A_368, %broadcast_in_dim3A_365 : vector<16x1xf32>
      %mul3A_370 = vector.broadcast %div3A_369 : vector<16x1xf32> to vector<16x64xf32>
      %mul3A_371 = arith.mulf %select_n3A_362, %mul3A_370 : vector<16x64xf32>
      %reduce_max3A_372 = arith.constant dense<0xFF800000> : vector<16xf32>
      %reduce_max3A_373 = vector.multi_reduction <maximumf>, %select_n3A_363, %reduce_max3A_372 [1] : vector<16x64xf32> to vector<16xf32>
      %broadcast_in_dim3A_374 = vector.shape_cast %reduce_max3A_373 : vector<16xf32> to vector<16x1xf32>
      %log3A_375 = math.log %broadcast_in_dim3A_374 : vector<16x1xf32>
      %add3A_376 = vector.broadcast %log3A_375 : vector<16x1xf32> to vector<16x64xf32>
      %add3A_377 = arith.addf %scan3A_74, %add3A_376 : vector<16x64xf32>
      %div3A_378 = arith.constant 1.000000e+00 : f32
      %div3A_379 = vector.broadcast %div3A_378 : f32 to vector<16x1xf32>
      %div3A_380 = arith.divf %div3A_379, %broadcast_in_dim3A_374 : vector<16x1xf32>
      %mul3A_381 = vector.broadcast %div3A_380 : vector<16x1xf32> to vector<16x64xf32>
      %mul3A_382 = arith.mulf %select_n3A_363, %mul3A_381 : vector<16x64xf32>
      %mul3A_383 = arith.constant 8 : i32
      %mul3A_384 = arith.muli %add3A_78, %mul3A_383 : i32
      %add3A_385 = arith.constant 0 : i32
      %add3A_386 = arith.addi %mul3A_384, %add3A_385 : i32
      %sub3A_387 = arith.constant 127 : i32
      %sub3A_388 = arith.subi %sub3A_387, %add3A_386 : i32
      %add3A_389 = arith.addi %mul3A_31, %add3A_386 : i32
      %add3A_390 = arith.addi %sub3A_35, %sub3A_388 : i32
      %get3A_391 = arith.constant 0 : index
      %get3A_392 = arith.index_cast %add3A_386 : i32 to index
      %get3A_393 = arith.constant 0 : index
      %get3A_394 = vector.load %arg13[%get3A_391, %get3A_392, %get3A_393] : memref<16x128x64xf32, #tpu.memory_space<vmem>>, vector<16x1x64xf32>
      %get3A_395 = vector.shape_cast %get3A_394 : vector<16x1x64xf32> to vector<16x64xf32>
      %get3A_396 = arith.constant 0 : index
      %get3A_397 = arith.index_cast %sub3A_388 : i32 to index
      %get3A_398 = arith.constant 0 : index
      %get3A_399 = vector.load %arg14[%get3A_396, %get3A_397, %get3A_398] : memref<16x128x64xf32, #tpu.memory_space<vmem>>, vector<16x1x64xf32>
      %get3A_400 = vector.shape_cast %get3A_399 : vector<16x1x64xf32> to vector<16x64xf32>
      %ge3A_401 = arith.constant 1 : i32
      %ge3A_402 = arith.cmpi sge, %add3A_389, %ge3A_401 : i32
      %lt3A_403 = vector.broadcast %add3A_389 : i32 to vector<16x64xi32>
      %lt3A_404 = arith.cmpi slt, %lt3A_403, %broadcast_in_dim3A_10 : vector<16x64xi32>
      %and3A_405 = vector.broadcast %ge3A_402 : i1 to vector<16x64xi1>
      %and3A_406 = arith.andi %and3A_405, %lt3A_404 : vector<16x64xi1>
      %lt3A_407 = vector.broadcast %add3A_390 : i32 to vector<16x64xi32>
      %lt3A_408 = arith.cmpi slt, %lt3A_407, %broadcast_in_dim3A_10 : vector<16x64xi32>
      %convert_element_type3A_409 = arith.truncf %mul3A_371 : vector<16x64xf32> to vector<16x64xbf16>
      %dot_general3A_410 = arith.constant dense<0.000000e+00> : vector<16x64xf32>
      %dot_general3A_411 = tpu.matmul %convert_element_type3A_409, %convert_element_type3A, %dot_general3A_410 {dimension_numbers = #tpu.dot_dimension_numbers<[1], [0], [0], [1], [0, 0, 1, 1], [], []>, transpose_lhs_hint = false} : vector<16x64xbf16>, vector<64x64xbf16>, vector<16x64xf32> -> vector<16x64xf32>
      %mul3A_412 = arith.mulf %mul3A_382, %get3A_400 : vector<16x64xf32>
      %convert_element_type3A_413 = arith.truncf %mul3A_412 : vector<16x64xf32> to vector<16x64xbf16>
      %dot_general3A_414 = arith.constant dense<0.000000e+00> : vector<16x64xf32>
      %dot_general3A_415 = tpu.matmul %convert_element_type3A_413, %convert_element_type3A_6, %dot_general3A_414 {dimension_numbers = #tpu.dot_dimension_numbers<[1], [0], [0], [1], [0, 0, 1, 1], [], []>, transpose_lhs_hint = false} : vector<16x64xbf16>, vector<64x64xbf16>, vector<16x64xf32> -> vector<16x64xf32>
      %mul3A_416 = arith.mulf %dot_general3A_411, %get3A_395 : vector<16x64xf32>
      %select_n3A_417 = arith.select %and3A_406, %mul3A_416, %mul3A_371 : vector<16x64xi1>, vector<16x64xf32>
      %select_n3A_418 = arith.select %lt3A_408, %dot_general3A_415, %mul3A_382 : vector<16x64xi1>, vector<16x64xf32>
      %mul3A_419 = arith.constant 8 : i32
      %mul3A_420 = arith.muli %add3A_78, %mul3A_419 : i32
      %add3A_421 = arith.constant 1 : i32
      %add3A_422 = arith.addi %mul3A_420, %add3A_421 : i32
      %sub3A_423 = arith.constant 127 : i32
      %sub3A_424 = arith.subi %sub3A_423, %add3A_422 : i32
      %add3A_425 = arith.addi %mul3A_31, %add3A_422 : i32
      %add3A_426 = arith.addi %sub3A_35, %sub3A_424 : i32
      %get3A_427 = arith.constant 0 : index
      %get3A_428 = arith.index_cast %add3A_422 : i32 to index
      %get3A_429 = arith.constant 0 : index
      %get3A_430 = vector.load %arg13[%get3A_427, %get3A_428, %get3A_429] : memref<16x128x64xf32, #tpu.memory_space<vmem>>, vector<16x1x64xf32>
      %get3A_431 = vector.shape_cast %get3A_430 : vector<16x1x64xf32> to vector<16x64xf32>
      %get3A_432 = arith.constant 0 : index
      %get3A_433 = arith.index_cast %sub3A_424 : i32 to index
      %get3A_434 = arith.constant 0 : index
      %get3A_435 = vector.load %arg14[%get3A_432, %get3A_433, %get3A_434] : memref<16x128x64xf32, #tpu.memory_space<vmem>>, vector<16x1x64xf32>
      %get3A_436 = vector.shape_cast %get3A_435 : vector<16x1x64xf32> to vector<16x64xf32>
      %ge3A_437 = arith.constant 1 : i32
      %ge3A_438 = arith.cmpi sge, %add3A_425, %ge3A_437 : i32
      %lt3A_439 = vector.broadcast %add3A_425 : i32 to vector<16x64xi32>
      %lt3A_440 = arith.cmpi slt, %lt3A_439, %broadcast_in_dim3A_10 : vector<16x64xi32>
      %and3A_441 = vector.broadcast %ge3A_438 : i1 to vector<16x64xi1>
      %and3A_442 = arith.andi %and3A_441, %lt3A_440 : vector<16x64xi1>
      %lt3A_443 = vector.broadcast %add3A_426 : i32 to vector<16x64xi32>
      %lt3A_444 = arith.cmpi slt, %lt3A_443, %broadcast_in_dim3A_10 : vector<16x64xi32>
      %convert_element_type3A_445 = arith.truncf %select_n3A_417 : vector<16x64xf32> to vector<16x64xbf16>
      %dot_general3A_446 = arith.constant dense<0.000000e+00> : vector<16x64xf32>
      %dot_general3A_447 = tpu.matmul %convert_element_type3A_445, %convert_element_type3A, %dot_general3A_446 {dimension_numbers = #tpu.dot_dimension_numbers<[1], [0], [0], [1], [0, 0, 1, 1], [], []>, transpose_lhs_hint = false} : vector<16x64xbf16>, vector<64x64xbf16>, vector<16x64xf32> -> vector<16x64xf32>
      %mul3A_448 = arith.mulf %select_n3A_418, %get3A_436 : vector<16x64xf32>
      %convert_element_type3A_449 = arith.truncf %mul3A_448 : vector<16x64xf32> to vector<16x64xbf16>
      %dot_general3A_450 = arith.constant dense<0.000000e+00> : vector<16x64xf32>
      %dot_general3A_451 = tpu.matmul %convert_element_type3A_449, %convert_element_type3A_6, %dot_general3A_450 {dimension_numbers = #tpu.dot_dimension_numbers<[1], [0], [0], [1], [0, 0, 1, 1], [], []>, transpose_lhs_hint = false} : vector<16x64xbf16>, vector<64x64xbf16>, vector<16x64xf32> -> vector<16x64xf32>
      %mul3A_452 = arith.mulf %dot_general3A_447, %get3A_431 : vector<16x64xf32>
      %select_n3A_453 = arith.select %and3A_442, %mul3A_452, %select_n3A_417 : vector<16x64xi1>, vector<16x64xf32>
      %select_n3A_454 = arith.select %lt3A_444, %dot_general3A_451, %select_n3A_418 : vector<16x64xi1>, vector<16x64xf32>
      %mul3A_455 = arith.constant 8 : i32
      %mul3A_456 = arith.muli %add3A_78, %mul3A_455 : i32
      %add3A_457 = arith.constant 2 : i32
      %add3A_458 = arith.addi %mul3A_456, %add3A_457 : i32
      %sub3A_459 = arith.constant 127 : i32
      %sub3A_460 = arith.subi %sub3A_459, %add3A_458 : i32
      %add3A_461 = arith.addi %mul3A_31, %add3A_458 : i32
      %add3A_462 = arith.addi %sub3A_35, %sub3A_460 : i32
      %get3A_463 = arith.constant 0 : index
      %get3A_464 = arith.index_cast %add3A_458 : i32 to index
      %get3A_465 = arith.constant 0 : index
      %get3A_466 = vector.load %arg13[%get3A_463, %get3A_464, %get3A_465] : memref<16x128x64xf32, #tpu.memory_space<vmem>>, vector<16x1x64xf32>
      %get3A_467 = vector.shape_cast %get3A_466 : vector<16x1x64xf32> to vector<16x64xf32>
      %get3A_468 = arith.constant 0 : index
      %get3A_469 = arith.index_cast %sub3A_460 : i32 to index
      %get3A_470 = arith.constant 0 : index
      %get3A_471 = vector.load %arg14[%get3A_468, %get3A_469, %get3A_470] : memref<16x128x64xf32, #tpu.memory_space<vmem>>, vector<16x1x64xf32>
      %get3A_472 = vector.shape_cast %get3A_471 : vector<16x1x64xf32> to vector<16x64xf32>
      %ge3A_473 = arith.constant 1 : i32
      %ge3A_474 = arith.cmpi sge, %add3A_461, %ge3A_473 : i32
      %lt3A_475 = vector.broadcast %add3A_461 : i32 to vector<16x64xi32>
      %lt3A_476 = arith.cmpi slt, %lt3A_475, %broadcast_in_dim3A_10 : vector<16x64xi32>
      %and3A_477 = vector.broadcast %ge3A_474 : i1 to vector<16x64xi1>
      %and3A_478 = arith.andi %and3A_477, %lt3A_476 : vector<16x64xi1>
      %lt3A_479 = vector.broadcast %add3A_462 : i32 to vector<16x64xi32>
      %lt3A_480 = arith.cmpi slt, %lt3A_479, %broadcast_in_dim3A_10 : vector<16x64xi32>
      %convert_element_type3A_481 = arith.truncf %select_n3A_453 : vector<16x64xf32> to vector<16x64xbf16>
      %dot_general3A_482 = arith.constant dense<0.000000e+00> : vector<16x64xf32>
      %dot_general3A_483 = tpu.matmul %convert_element_type3A_481, %convert_element_type3A, %dot_general3A_482 {dimension_numbers = #tpu.dot_dimension_numbers<[1], [0], [0], [1], [0, 0, 1, 1], [], []>, transpose_lhs_hint = false} : vector<16x64xbf16>, vector<64x64xbf16>, vector<16x64xf32> -> vector<16x64xf32>
      %mul3A_484 = arith.mulf %select_n3A_454, %get3A_472 : vector<16x64xf32>
      %convert_element_type3A_485 = arith.truncf %mul3A_484 : vector<16x64xf32> to vector<16x64xbf16>
      %dot_general3A_486 = arith.constant dense<0.000000e+00> : vector<16x64xf32>
      %dot_general3A_487 = tpu.matmul %convert_element_type3A_485, %convert_element_type3A_6, %dot_general3A_486 {dimension_numbers = #tpu.dot_dimension_numbers<[1], [0], [0], [1], [0, 0, 1, 1], [], []>, transpose_lhs_hint = false} : vector<16x64xbf16>, vector<64x64xbf16>, vector<16x64xf32> -> vector<16x64xf32>
      %mul3A_488 = arith.mulf %dot_general3A_483, %get3A_467 : vector<16x64xf32>
      %select_n3A_489 = arith.select %and3A_478, %mul3A_488, %select_n3A_453 : vector<16x64xi1>, vector<16x64xf32>
      %select_n3A_490 = arith.select %lt3A_480, %dot_general3A_487, %select_n3A_454 : vector<16x64xi1>, vector<16x64xf32>
      %mul3A_491 = arith.constant 8 : i32
      %mul3A_492 = arith.muli %add3A_78, %mul3A_491 : i32
      %add3A_493 = arith.constant 3 : i32
      %add3A_494 = arith.addi %mul3A_492, %add3A_493 : i32
      %sub3A_495 = arith.constant 127 : i32
      %sub3A_496 = arith.subi %sub3A_495, %add3A_494 : i32
      %add3A_497 = arith.addi %mul3A_31, %add3A_494 : i32
      %add3A_498 = arith.addi %sub3A_35, %sub3A_496 : i32
      %get3A_499 = arith.constant 0 : index
      %get3A_500 = arith.index_cast %add3A_494 : i32 to index
      %get3A_501 = arith.constant 0 : index
      %get3A_502 = vector.load %arg13[%get3A_499, %get3A_500, %get3A_501] : memref<16x128x64xf32, #tpu.memory_space<vmem>>, vector<16x1x64xf32>
      %get3A_503 = vector.shape_cast %get3A_502 : vector<16x1x64xf32> to vector<16x64xf32>
      %get3A_504 = arith.constant 0 : index
      %get3A_505 = arith.index_cast %sub3A_496 : i32 to index
      %get3A_506 = arith.constant 0 : index
      %get3A_507 = vector.load %arg14[%get3A_504, %get3A_505, %get3A_506] : memref<16x128x64xf32, #tpu.memory_space<vmem>>, vector<16x1x64xf32>
      %get3A_508 = vector.shape_cast %get3A_507 : vector<16x1x64xf32> to vector<16x64xf32>
      %ge3A_509 = arith.constant 1 : i32
      %ge3A_510 = arith.cmpi sge, %add3A_497, %ge3A_509 : i32
      %lt3A_511 = vector.broadcast %add3A_497 : i32 to vector<16x64xi32>
      %lt3A_512 = arith.cmpi slt, %lt3A_511, %broadcast_in_dim3A_10 : vector<16x64xi32>
      %and3A_513 = vector.broadcast %ge3A_510 : i1 to vector<16x64xi1>
      %and3A_514 = arith.andi %and3A_513, %lt3A_512 : vector<16x64xi1>
      %lt3A_515 = vector.broadcast %add3A_498 : i32 to vector<16x64xi32>
      %lt3A_516 = arith.cmpi slt, %lt3A_515, %broadcast_in_dim3A_10 : vector<16x64xi32>
      %convert_element_type3A_517 = arith.truncf %select_n3A_489 : vector<16x64xf32> to vector<16x64xbf16>
      %dot_general3A_518 = arith.constant dense<0.000000e+00> : vector<16x64xf32>
      %dot_general3A_519 = tpu.matmul %convert_element_type3A_517, %convert_element_type3A, %dot_general3A_518 {dimension_numbers = #tpu.dot_dimension_numbers<[1], [0], [0], [1], [0, 0, 1, 1], [], []>, transpose_lhs_hint = false} : vector<16x64xbf16>, vector<64x64xbf16>, vector<16x64xf32> -> vector<16x64xf32>
      %mul3A_520 = arith.mulf %select_n3A_490, %get3A_508 : vector<16x64xf32>
      %convert_element_type3A_521 = arith.truncf %mul3A_520 : vector<16x64xf32> to vector<16x64xbf16>
      %dot_general3A_522 = arith.constant dense<0.000000e+00> : vector<16x64xf32>
      %dot_general3A_523 = tpu.matmul %convert_element_type3A_521, %convert_element_type3A_6, %dot_general3A_522 {dimension_numbers = #tpu.dot_dimension_numbers<[1], [0], [0], [1], [0, 0, 1, 1], [], []>, transpose_lhs_hint = false} : vector<16x64xbf16>, vector<64x64xbf16>, vector<16x64xf32> -> vector<16x64xf32>
      %mul3A_524 = arith.mulf %dot_general3A_519, %get3A_503 : vector<16x64xf32>
      %select_n3A_525 = arith.select %and3A_514, %mul3A_524, %select_n3A_489 : vector<16x64xi1>, vector<16x64xf32>
      %select_n3A_526 = arith.select %lt3A_516, %dot_general3A_523, %select_n3A_490 : vector<16x64xi1>, vector<16x64xf32>
      %mul3A_527 = arith.constant 8 : i32
      %mul3A_528 = arith.muli %add3A_78, %mul3A_527 : i32
      %add3A_529 = arith.constant 4 : i32
      %add3A_530 = arith.addi %mul3A_528, %add3A_529 : i32
      %sub3A_531 = arith.constant 127 : i32
      %sub3A_532 = arith.subi %sub3A_531, %add3A_530 : i32
      %add3A_533 = arith.addi %mul3A_31, %add3A_530 : i32
      %add3A_534 = arith.addi %sub3A_35, %sub3A_532 : i32
      %get3A_535 = arith.constant 0 : index
      %get3A_536 = arith.index_cast %add3A_530 : i32 to index
      %get3A_537 = arith.constant 0 : index
      %get3A_538 = vector.load %arg13[%get3A_535, %get3A_536, %get3A_537] : memref<16x128x64xf32, #tpu.memory_space<vmem>>, vector<16x1x64xf32>
      %get3A_539 = vector.shape_cast %get3A_538 : vector<16x1x64xf32> to vector<16x64xf32>
      %get3A_540 = arith.constant 0 : index
      %get3A_541 = arith.index_cast %sub3A_532 : i32 to index
      %get3A_542 = arith.constant 0 : index
      %get3A_543 = vector.load %arg14[%get3A_540, %get3A_541, %get3A_542] : memref<16x128x64xf32, #tpu.memory_space<vmem>>, vector<16x1x64xf32>
      %get3A_544 = vector.shape_cast %get3A_543 : vector<16x1x64xf32> to vector<16x64xf32>
      %ge3A_545 = arith.constant 1 : i32
      %ge3A_546 = arith.cmpi sge, %add3A_533, %ge3A_545 : i32
      %lt3A_547 = vector.broadcast %add3A_533 : i32 to vector<16x64xi32>
      %lt3A_548 = arith.cmpi slt, %lt3A_547, %broadcast_in_dim3A_10 : vector<16x64xi32>
      %and3A_549 = vector.broadcast %ge3A_546 : i1 to vector<16x64xi1>
      %and3A_550 = arith.andi %and3A_549, %lt3A_548 : vector<16x64xi1>
      %lt3A_551 = vector.broadcast %add3A_534 : i32 to vector<16x64xi32>
      %lt3A_552 = arith.cmpi slt, %lt3A_551, %broadcast_in_dim3A_10 : vector<16x64xi32>
      %convert_element_type3A_553 = arith.truncf %select_n3A_525 : vector<16x64xf32> to vector<16x64xbf16>
      %dot_general3A_554 = arith.constant dense<0.000000e+00> : vector<16x64xf32>
      %dot_general3A_555 = tpu.matmul %convert_element_type3A_553, %convert_element_type3A, %dot_general3A_554 {dimension_numbers = #tpu.dot_dimension_numbers<[1], [0], [0], [1], [0, 0, 1, 1], [], []>, transpose_lhs_hint = false} : vector<16x64xbf16>, vector<64x64xbf16>, vector<16x64xf32> -> vector<16x64xf32>
      %mul3A_556 = arith.mulf %select_n3A_526, %get3A_544 : vector<16x64xf32>
      %convert_element_type3A_557 = arith.truncf %mul3A_556 : vector<16x64xf32> to vector<16x64xbf16>
      %dot_general3A_558 = arith.constant dense<0.000000e+00> : vector<16x64xf32>
      %dot_general3A_559 = tpu.matmul %convert_element_type3A_557, %convert_element_type3A_6, %dot_general3A_558 {dimension_numbers = #tpu.dot_dimension_numbers<[1], [0], [0], [1], [0, 0, 1, 1], [], []>, transpose_lhs_hint = false} : vector<16x64xbf16>, vector<64x64xbf16>, vector<16x64xf32> -> vector<16x64xf32>
      %mul3A_560 = arith.mulf %dot_general3A_555, %get3A_539 : vector<16x64xf32>
      %select_n3A_561 = arith.select %and3A_550, %mul3A_560, %select_n3A_525 : vector<16x64xi1>, vector<16x64xf32>
      %select_n3A_562 = arith.select %lt3A_552, %dot_general3A_559, %select_n3A_526 : vector<16x64xi1>, vector<16x64xf32>
      %mul3A_563 = arith.constant 8 : i32
      %mul3A_564 = arith.muli %add3A_78, %mul3A_563 : i32
      %add3A_565 = arith.constant 5 : i32
      %add3A_566 = arith.addi %mul3A_564, %add3A_565 : i32
      %sub3A_567 = arith.constant 127 : i32
      %sub3A_568 = arith.subi %sub3A_567, %add3A_566 : i32
      %add3A_569 = arith.addi %mul3A_31, %add3A_566 : i32
      %add3A_570 = arith.addi %sub3A_35, %sub3A_568 : i32
      %get3A_571 = arith.constant 0 : index
      %get3A_572 = arith.index_cast %add3A_566 : i32 to index
      %get3A_573 = arith.constant 0 : index
      %get3A_574 = vector.load %arg13[%get3A_571, %get3A_572, %get3A_573] : memref<16x128x64xf32, #tpu.memory_space<vmem>>, vector<16x1x64xf32>
      %get3A_575 = vector.shape_cast %get3A_574 : vector<16x1x64xf32> to vector<16x64xf32>
      %get3A_576 = arith.constant 0 : index
      %get3A_577 = arith.index_cast %sub3A_568 : i32 to index
      %get3A_578 = arith.constant 0 : index
      %get3A_579 = vector.load %arg14[%get3A_576, %get3A_577, %get3A_578] : memref<16x128x64xf32, #tpu.memory_space<vmem>>, vector<16x1x64xf32>
      %get3A_580 = vector.shape_cast %get3A_579 : vector<16x1x64xf32> to vector<16x64xf32>
      %ge3A_581 = arith.constant 1 : i32
      %ge3A_582 = arith.cmpi sge, %add3A_569, %ge3A_581 : i32
      %lt3A_583 = vector.broadcast %add3A_569 : i32 to vector<16x64xi32>
      %lt3A_584 = arith.cmpi slt, %lt3A_583, %broadcast_in_dim3A_10 : vector<16x64xi32>
      %and3A_585 = vector.broadcast %ge3A_582 : i1 to vector<16x64xi1>
      %and3A_586 = arith.andi %and3A_585, %lt3A_584 : vector<16x64xi1>
      %lt3A_587 = vector.broadcast %add3A_570 : i32 to vector<16x64xi32>
      %lt3A_588 = arith.cmpi slt, %lt3A_587, %broadcast_in_dim3A_10 : vector<16x64xi32>
      %convert_element_type3A_589 = arith.truncf %select_n3A_561 : vector<16x64xf32> to vector<16x64xbf16>
      %dot_general3A_590 = arith.constant dense<0.000000e+00> : vector<16x64xf32>
      %dot_general3A_591 = tpu.matmul %convert_element_type3A_589, %convert_element_type3A, %dot_general3A_590 {dimension_numbers = #tpu.dot_dimension_numbers<[1], [0], [0], [1], [0, 0, 1, 1], [], []>, transpose_lhs_hint = false} : vector<16x64xbf16>, vector<64x64xbf16>, vector<16x64xf32> -> vector<16x64xf32>
      %mul3A_592 = arith.mulf %select_n3A_562, %get3A_580 : vector<16x64xf32>
      %convert_element_type3A_593 = arith.truncf %mul3A_592 : vector<16x64xf32> to vector<16x64xbf16>
      %dot_general3A_594 = arith.constant dense<0.000000e+00> : vector<16x64xf32>
      %dot_general3A_595 = tpu.matmul %convert_element_type3A_593, %convert_element_type3A_6, %dot_general3A_594 {dimension_numbers = #tpu.dot_dimension_numbers<[1], [0], [0], [1], [0, 0, 1, 1], [], []>, transpose_lhs_hint = false} : vector<16x64xbf16>, vector<64x64xbf16>, vector<16x64xf32> -> vector<16x64xf32>
      %mul3A_596 = arith.mulf %dot_general3A_591, %get3A_575 : vector<16x64xf32>
      %select_n3A_597 = arith.select %and3A_586, %mul3A_596, %select_n3A_561 : vector<16x64xi1>, vector<16x64xf32>
      %select_n3A_598 = arith.select %lt3A_588, %dot_general3A_595, %select_n3A_562 : vector<16x64xi1>, vector<16x64xf32>
      %mul3A_599 = arith.constant 8 : i32
      %mul3A_600 = arith.muli %add3A_78, %mul3A_599 : i32
      %add3A_601 = arith.constant 6 : i32
      %add3A_602 = arith.addi %mul3A_600, %add3A_601 : i32
      %sub3A_603 = arith.constant 127 : i32
      %sub3A_604 = arith.subi %sub3A_603, %add3A_602 : i32
      %add3A_605 = arith.addi %mul3A_31, %add3A_602 : i32
      %add3A_606 = arith.addi %sub3A_35, %sub3A_604 : i32
      %get3A_607 = arith.constant 0 : index
      %get3A_608 = arith.index_cast %add3A_602 : i32 to index
      %get3A_609 = arith.constant 0 : index
      %get3A_610 = vector.load %arg13[%get3A_607, %get3A_608, %get3A_609] : memref<16x128x64xf32, #tpu.memory_space<vmem>>, vector<16x1x64xf32>
      %get3A_611 = vector.shape_cast %get3A_610 : vector<16x1x64xf32> to vector<16x64xf32>
      %get3A_612 = arith.constant 0 : index
      %get3A_613 = arith.index_cast %sub3A_604 : i32 to index
      %get3A_614 = arith.constant 0 : index
      %get3A_615 = vector.load %arg14[%get3A_612, %get3A_613, %get3A_614] : memref<16x128x64xf32, #tpu.memory_space<vmem>>, vector<16x1x64xf32>
      %get3A_616 = vector.shape_cast %get3A_615 : vector<16x1x64xf32> to vector<16x64xf32>
      %ge3A_617 = arith.constant 1 : i32
      %ge3A_618 = arith.cmpi sge, %add3A_605, %ge3A_617 : i32
      %lt3A_619 = vector.broadcast %add3A_605 : i32 to vector<16x64xi32>
      %lt3A_620 = arith.cmpi slt, %lt3A_619, %broadcast_in_dim3A_10 : vector<16x64xi32>
      %and3A_621 = vector.broadcast %ge3A_618 : i1 to vector<16x64xi1>
      %and3A_622 = arith.andi %and3A_621, %lt3A_620 : vector<16x64xi1>
      %lt3A_623 = vector.broadcast %add3A_606 : i32 to vector<16x64xi32>
      %lt3A_624 = arith.cmpi slt, %lt3A_623, %broadcast_in_dim3A_10 : vector<16x64xi32>
      %convert_element_type3A_625 = arith.truncf %select_n3A_597 : vector<16x64xf32> to vector<16x64xbf16>
      %dot_general3A_626 = arith.constant dense<0.000000e+00> : vector<16x64xf32>
      %dot_general3A_627 = tpu.matmul %convert_element_type3A_625, %convert_element_type3A, %dot_general3A_626 {dimension_numbers = #tpu.dot_dimension_numbers<[1], [0], [0], [1], [0, 0, 1, 1], [], []>, transpose_lhs_hint = false} : vector<16x64xbf16>, vector<64x64xbf16>, vector<16x64xf32> -> vector<16x64xf32>
      %mul3A_628 = arith.mulf %select_n3A_598, %get3A_616 : vector<16x64xf32>
      %convert_element_type3A_629 = arith.truncf %mul3A_628 : vector<16x64xf32> to vector<16x64xbf16>
      %dot_general3A_630 = arith.constant dense<0.000000e+00> : vector<16x64xf32>
      %dot_general3A_631 = tpu.matmul %convert_element_type3A_629, %convert_element_type3A_6, %dot_general3A_630 {dimension_numbers = #tpu.dot_dimension_numbers<[1], [0], [0], [1], [0, 0, 1, 1], [], []>, transpose_lhs_hint = false} : vector<16x64xbf16>, vector<64x64xbf16>, vector<16x64xf32> -> vector<16x64xf32>
      %mul3A_632 = arith.mulf %dot_general3A_627, %get3A_611 : vector<16x64xf32>
      %select_n3A_633 = arith.select %and3A_622, %mul3A_632, %select_n3A_597 : vector<16x64xi1>, vector<16x64xf32>
      %select_n3A_634 = arith.select %lt3A_624, %dot_general3A_631, %select_n3A_598 : vector<16x64xi1>, vector<16x64xf32>
      %mul3A_635 = arith.constant 8 : i32
      %mul3A_636 = arith.muli %add3A_78, %mul3A_635 : i32
      %add3A_637 = arith.constant 7 : i32
      %add3A_638 = arith.addi %mul3A_636, %add3A_637 : i32
      %sub3A_639 = arith.constant 127 : i32
      %sub3A_640 = arith.subi %sub3A_639, %add3A_638 : i32
      %add3A_641 = arith.addi %mul3A_31, %add3A_638 : i32
      %add3A_642 = arith.addi %sub3A_35, %sub3A_640 : i32
      %get3A_643 = arith.constant 0 : index
      %get3A_644 = arith.index_cast %add3A_638 : i32 to index
      %get3A_645 = arith.constant 0 : index
      %get3A_646 = vector.load %arg13[%get3A_643, %get3A_644, %get3A_645] : memref<16x128x64xf32, #tpu.memory_space<vmem>>, vector<16x1x64xf32>
      %get3A_647 = vector.shape_cast %get3A_646 : vector<16x1x64xf32> to vector<16x64xf32>
      %get3A_648 = arith.constant 0 : index
      %get3A_649 = arith.index_cast %sub3A_640 : i32 to index
      %get3A_650 = arith.constant 0 : index
      %get3A_651 = vector.load %arg14[%get3A_648, %get3A_649, %get3A_650] : memref<16x128x64xf32, #tpu.memory_space<vmem>>, vector<16x1x64xf32>
      %get3A_652 = vector.shape_cast %get3A_651 : vector<16x1x64xf32> to vector<16x64xf32>
      %ge3A_653 = arith.constant 1 : i32
      %ge3A_654 = arith.cmpi sge, %add3A_641, %ge3A_653 : i32
      %lt3A_655 = vector.broadcast %add3A_641 : i32 to vector<16x64xi32>
      %lt3A_656 = arith.cmpi slt, %lt3A_655, %broadcast_in_dim3A_10 : vector<16x64xi32>
      %and3A_657 = vector.broadcast %ge3A_654 : i1 to vector<16x64xi1>
      %and3A_658 = arith.andi %and3A_657, %lt3A_656 : vector<16x64xi1>
      %lt3A_659 = vector.broadcast %add3A_642 : i32 to vector<16x64xi32>
      %lt3A_660 = arith.cmpi slt, %lt3A_659, %broadcast_in_dim3A_10 : vector<16x64xi32>
      %convert_element_type3A_661 = arith.truncf %select_n3A_633 : vector<16x64xf32> to vector<16x64xbf16>
      %dot_general3A_662 = arith.constant dense<0.000000e+00> : vector<16x64xf32>
      %dot_general3A_663 = tpu.matmul %convert_element_type3A_661, %convert_element_type3A, %dot_general3A_662 {dimension_numbers = #tpu.dot_dimension_numbers<[1], [0], [0], [1], [0, 0, 1, 1], [], []>, transpose_lhs_hint = false} : vector<16x64xbf16>, vector<64x64xbf16>, vector<16x64xf32> -> vector<16x64xf32>
      %mul3A_664 = arith.mulf %select_n3A_634, %get3A_652 : vector<16x64xf32>
      %convert_element_type3A_665 = arith.truncf %mul3A_664 : vector<16x64xf32> to vector<16x64xbf16>
      %dot_general3A_666 = arith.constant dense<0.000000e+00> : vector<16x64xf32>
      %dot_general3A_667 = tpu.matmul %convert_element_type3A_665, %convert_element_type3A_6, %dot_general3A_666 {dimension_numbers = #tpu.dot_dimension_numbers<[1], [0], [0], [1], [0, 0, 1, 1], [], []>, transpose_lhs_hint = false} : vector<16x64xbf16>, vector<64x64xbf16>, vector<16x64xf32> -> vector<16x64xf32>
      %mul3A_668 = arith.mulf %dot_general3A_663, %get3A_647 : vector<16x64xf32>
      %select_n3A_669 = arith.select %and3A_658, %mul3A_668, %select_n3A_633 : vector<16x64xi1>, vector<16x64xf32>
      %select_n3A_670 = arith.select %lt3A_660, %dot_general3A_667, %select_n3A_634 : vector<16x64xi1>, vector<16x64xf32>
      %reduce_max3A_671 = arith.constant dense<0xFF800000> : vector<16xf32>
      %reduce_max3A_672 = vector.multi_reduction <maximumf>, %select_n3A_669, %reduce_max3A_671 [1] : vector<16x64xf32> to vector<16xf32>
      %broadcast_in_dim3A_673 = vector.shape_cast %reduce_max3A_672 : vector<16xf32> to vector<16x1xf32>
      %log3A_674 = math.log %broadcast_in_dim3A_673 : vector<16x1xf32>
      %add3A_675 = vector.broadcast %log3A_674 : vector<16x1xf32> to vector<16x64xf32>
      %add3A_676 = arith.addf %add3A_367, %add3A_675 : vector<16x64xf32>
      %div3A_677 = arith.constant 1.000000e+00 : f32
      %div3A_678 = vector.broadcast %div3A_677 : f32 to vector<16x1xf32>
      %div3A_679 = arith.divf %div3A_678, %broadcast_in_dim3A_673 : vector<16x1xf32>
      %mul3A_680 = vector.broadcast %div3A_679 : vector<16x1xf32> to vector<16x64xf32>
      %mul3A_681 = arith.mulf %select_n3A_669, %mul3A_680 : vector<16x64xf32>
      %reduce_max3A_682 = arith.constant dense<0xFF800000> : vector<16xf32>
      %reduce_max3A_683 = vector.multi_reduction <maximumf>, %select_n3A_670, %reduce_max3A_682 [1] : vector<16x64xf32> to vector<16xf32>
      %broadcast_in_dim3A_684 = vector.shape_cast %reduce_max3A_683 : vector<16xf32> to vector<16x1xf32>
      %log3A_685 = math.log %broadcast_in_dim3A_684 : vector<16x1xf32>
      %add3A_686 = vector.broadcast %log3A_685 : vector<16x1xf32> to vector<16x64xf32>
      %add3A_687 = arith.addf %add3A_377, %add3A_686 : vector<16x64xf32>
      %div3A_688 = arith.constant 1.000000e+00 : f32
      %div3A_689 = vector.broadcast %div3A_688 : f32 to vector<16x1xf32>
      %div3A_690 = arith.divf %div3A_689, %broadcast_in_dim3A_684 : vector<16x1xf32>
      %mul3A_691 = vector.broadcast %div3A_690 : vector<16x1xf32> to vector<16x64xf32>
      %mul3A_692 = arith.mulf %select_n3A_670, %mul3A_691 : vector<16x64xf32>
      scf.yield %mul3A_681, %add3A_676, %mul3A_692, %add3A_687 : vector<16x64xf32>, vector<16x64xf32>, vector<16x64xf32>, vector<16x64xf32>
    }
    %scan3A_52 = arith.constant 8 : i32
    %swap3A_53 = arith.constant 0 : index
    %swap3A_54 = arith.constant 0 : index
    %swap3A_55 = vector.load %arg9[%swap3A_53, %swap3A_54] : memref<16x64xf32, #tpu.memory_space<vmem>>, vector<16x64xf32>
    tpu.vector_store %arg9[%swap3A_53, %swap3A_54], %scan3A_51#0 {strides = array<i32>} : memref<16x64xf32, #tpu.memory_space<vmem>>, vector<16x64xf32>,
    %swap3A_56 = arith.constant 0 : index
    %swap3A_57 = arith.constant 0 : index
    %swap3A_58 = vector.load %arg10[%swap3A_56, %swap3A_57] : memref<16x64xf32, #tpu.memory_space<vmem>>, vector<16x64xf32>
    tpu.vector_store %arg10[%swap3A_56, %swap3A_57], %scan3A_51#1 {strides = array<i32>} : memref<16x64xf32, #tpu.memory_space<vmem>>, vector<16x64xf32>,
    %swap3A_59 = arith.constant 0 : index
    %swap3A_60 = arith.constant 0 : index
    %swap3A_61 = vector.load %arg11[%swap3A_59, %swap3A_60] : memref<16x64xf32, #tpu.memory_space<vmem>>, vector<16x64xf32>
    tpu.vector_store %arg11[%swap3A_59, %swap3A_60], %scan3A_51#2 {strides = array<i32>} : memref<16x64xf32, #tpu.memory_space<vmem>>, vector<16x64xf32>,
    %swap3A_62 = arith.constant 0 : index
    %swap3A_63 = arith.constant 0 : index
    %swap3A_64 = vector.load %arg12[%swap3A_62, %swap3A_63] : memref<16x64xf32, #tpu.memory_space<vmem>>, vector<16x64xf32>
    tpu.vector_store %arg12[%swap3A_62, %swap3A_63], %scan3A_51#3 {strides = array<i32>} : memref<16x64xf32, #tpu.memory_space<vmem>>, vector<16x64xf32>,
    %eq3A_65 = arith.constant 7 : i32
    %eq3A_66 = arith.cmpi eq, %arg0, %eq3A_65 : i32
    %convert_element_type3A_67 = arith.extui %eq3A_66 : i1 to i32
    %cond3A_68 = arith.constant 0 : i32
    %cond3A_69 = arith.cmpi ne, %convert_element_type3A_67, %cond3A_68 : i32
    scf.if %cond3A_69 {
      %mul3A_70 = arith.mulf %scan3A_51#0, %scan3A_51#2 : vector<16x64xf32>
      %reduce_sum3A = arith.constant dense<0.000000e+00> : vector<16xf32>
      %reduce_sum3A_71 = vector.multi_reduction <add>, %mul3A_70, %reduce_sum3A [1] : vector<16x64xf32> to vector<16xf32>
      %broadcast_in_dim3A_72 = vector.shape_cast %reduce_sum3A_71 : vector<16xf32> to vector<16x1xf32>
      %slice3A = vector.extract_strided_slice %scan3A_51#1 {offsets = [0, 0], sizes = [16, 1], strides = [1, 1]} : vector<16x64xf32> to vector<16x1xf32>
      %slice3A_73 = vector.extract_strided_slice %scan3A_51#3 {offsets = [0, 0], sizes = [16, 1], strides = [1, 1]} : vector<16x64xf32> to vector<16x1xf32>
      %add3A_74 = arith.addf %slice3A, %slice3A_73 : vector<16x1xf32>
      %log3A = math.log %broadcast_in_dim3A_72 : vector<16x1xf32>
      %add3A_75 = arith.addf %add3A_74, %log3A : vector<16x1xf32>
      %broadcast_in_dim3A_76 = vector.shape_cast %add3A_75 : vector<16x1xf32> to vector<16x1xf32>
      %broadcast_in_dim3A_77 = vector.broadcast %broadcast_in_dim3A_76 : vector<16x1xf32> to vector<16x128xf32>
      %swap3A_78 = arith.constant 0 : index
      %swap3A_79 = arith.constant 0 : index
      %swap3A_80 = vector.load %arg8[%swap3A_78, %swap3A_79] : memref<16x128xf32, #tpu.memory_space<vmem>>, vector<16x128xf32>
      tpu.vector_store %arg8[%swap3A_78, %swap3A_79], %broadcast_in_dim3A_77 {strides = array<i32>} : memref<16x128xf32, #tpu.memory_space<vmem>>, vector<16x128xf32>,
    } else {
    }
    return
  }
  func.func @transform_0(%arg0: i32) -> (i32, i32) {
    %c0_i32 = arith.constant 0 : i32
    %c0_i32_0 = arith.constant 0 : i32
    %c0_i32_1 = arith.constant 0 : i32
    return %c0_i32, %c0_i32_0 : i32, i32
  }
  func.func @transform_1(%arg0: i32) -> (i32, i32, i32) {
    %c0_i32 = arith.constant 0 : i32
    %c0_i32_0 = arith.constant 0 : i32
    %c0_i32_1 = arith.constant 0 : i32
    return %c0_i32, %arg0, %c0_i32_0 : i32, i32, i32
  }
  func.func @transform_2(%arg0: i32) -> (i32, i32, i32) {
    %sub3A = arith.constant 15 : i32
    %sub3A_0 = arith.subi %sub3A, %arg0 : i32
    %c0_i32 = arith.constant 0 : i32
    %c0_i32_1 = arith.constant 0 : i32
    %c0_i32_2 = arith.constant 0 : i32
    return %c0_i32, %sub3A_0, %c0_i32_1 : i32, i32, i32
  }
  func.func @transform_3(%arg0: i32) -> (i32, i32) {
    %c0_i32 = arith.constant 0 : i32
    %c0_i32_0 = arith.constant 0 : i32
    %c0_i32_1 = arith.constant 0 : i32
    return %c0_i32, %c0_i32_0 : i32, i32
  }
  func.func @transform_4(%arg0: i32) -> (i32, i32) {
    %c0_i32 = arith.constant 0 : i32
    %c0_i32_0 = arith.constant 0 : i32
    %c0_i32_1 = arith.constant 0 : i32
    return %c0_i32, %c0_i32_0 : i32, i32
  }
  func.func @transform_5(%arg0: i32) -> (i32, i32) {
    %c0_i32 = arith.constant 0 : i32
    %c0_i32_0 = arith.constant 0 : i32
    %c0_i32_1 = arith.constant 0 : i32
    return %c0_i32, %c0_i32_0 : i32, i32
  }
  func.func @transform_6(%arg0: i32) -> (i32, i32) {
    %c0_i32 = arith.constant 0 : i32
    %c0_i32_0 = arith.constant 0 : i32
    %c0_i32_1 = arith.constant 0 : i32
    return %c0_i32, %c0_i32_0 : i32, i32
  }
  func.func @transform_7(%arg0: i32) -> (i32, i32) {
    %c0_i32 = arith.constant 0 : i32
    %c0_i32_0 = arith.constant 0 : i32
    %c0_i32_1 = arith.constant 0 : i32
    return %c0_i32, %c0_i32_0 : i32, i32
  }
}

</mosaic_0001>

<sc_bundles>
// kernel: kernel.4.cloned.1.call-start
scs
__scs_entry_jumppad:
0x0: {  	(pc) =	sbr.rel $0x88, $3  }
0x1: {  	(tag) =	ssettag $0x0;
	lr =	simm.s32 $0x1  }
0x2: {  	[smem:$0x3F9B] =	sst lr;
	_ =	strace $0xD0000000  }
0x3: {  	_ = 	snop  }
0x4: {  	_ = 	snop  }
0x5: {  	_ = 	snop  }
0x6: {  	_ = 	snop  }
0x7: {  	_ = 	snop  }
__scs_overlays_trampoline_lowered:
0x8: {  	[smem:$0x3FAA] =	sst s0  }
0x9: {  	[smem:$0x3FAB] =	sst s1  }
0xa: {  	[smem:$0x3FAC] =	sst s2  }
0xb: {  	[smem:$0x3FAD] =	sst s3  }
0xc: {  	[smem:$0x3FAE] =	sst s4  }
0xd: {  	[smem:$0x3FAF] =	sst s5  }
0xe: {  	[smem:$0x3FB0] =	sst s6  }
0xf: {  	[smem:$0x3FB1] =	sst s7  }
0x10: {  	[smem:$0x3FB2] =	sst s8  }
0x11: {  	[smem:$0x3FB3] =	sst s9;
	s0 =	simm.s32 @!p0 $0x0  }
0x12: {  	s1 =	sld [smem:$0x3F99];
	s0 =	simm.s32 @p0 $0x1  }
0x13: {  	[smem:$0x3FB4] =	sst s0;
	s0 =	simm.s32 @!p1 $0x0  }
0x14: {  	s2 =	sld [smem:$0x3F98];
	s0 =	simm.s32 @p1 $0x1  }
0x15: {  	[smem:$0x3FB5] =	sst s0;
	s0 =	simm.s32 @!p2 $0x0  }
0x16: {  	s3 =	sld [smem:$0x3FDB];
	s0 =	simm.s32 @p2 $0x1  }
0x17: {  	s4 =	simm.s32 $0x1BF5;
	[smem:$0x3FB7] =	sst s0  }
0x18: {  	s0 =	sld [smem:$0x3F9A];
	_ =	swait.ge [sflag:s4], $0x0  }
0x19: {  	s7 =	sld [smem:$0x3F9B]  }
0x1a: {  	s8 =	sadd.s32 $0xFFFFE003, lr  }
0x1b: {  	s9 =	sadd.s32 $0xFFFFFEF7, lr;
	s5 =	simm.s32 $0xFFFFFFFF;
	p2 =	slt.u32 s8, $0xFFFFF086  }
0x1c: {  	p1 =	slt.u32 s9, $0xF7A;
	s5 =	simm.s32 @!p2 $0x0  }
0x1d: {  	s5 =	simm.s32 @p1 $0x1;
	p0 =	seq.s32 s7, s2  }
0x1e: {  	s7 =	smul.u32 @!p0 $0xF7A, s2;
	p2 =	seq.s32 @!p0 s5, $0x0  }
0x1f: {  	s9 =	smul.u32 $0xF7A, s1;
	s8 =	simm.s32 @!p0 $0x1BF5;
	p2 =	por !p2, p0  }
0x20: {  	[sflag:s8] =	ssyncset.s32 @!p0 $0xFFFFF086;
	s6 =	sadd.s32 @!p0 s3, s7;
	s7 =	simm.s32 @!p0 $0x108  }
0x21: {  	s3 =	sadd.s32 s3, s9;
	s6 =	sadd.s32 @!p0 $0x88, s6;
	s7 =	simm.s32 @p2 $0x1082  }
0x22: {  	[simem:s7], [sflag:s8] =	dma.local @!p0 [hbm:s6], $0xF7A  }
0x23: {  	s9 =	sor.u32 $0xD0000000, s2;
	s6 =	simm.s32 $0x108;
	_ =	swait.ge @!p0 [sflag:s8], $0x0  }
0x24: {  	s3 =	sadd.s32 $0x88, s3;
	s6 =	simm.s32 @!p1 $0x1082;
	[sflag:s4] =	ssyncset.s32 $0xFFFFF086  }
0x25: {  	[simem:s6], [sflag:s4] =	dma.local [hbm:s3], $0xF7A  }
0x26: {  	[smem:$0x3F9B] =	sst s1;
	(tag) =	ssettag s2;
	_ =	strace s9  }
0x27: {  	s1 =	sld [smem:$0x3FAB]  }
0x28: {  	s2 =	sld [smem:$0x3FAC]  }
0x29: {  	s4 =	sld [smem:$0x3FAE]  }
0x2a: {  	p0 =	seq.s32 s5, $0x0;
	s5 =	sld [smem:$0x3FAF]  }
0x2b: {  	s6 =	sld [smem:$0x3FB0]  }
0x2c: {  	s7 =	sld [smem:$0x3FB1]  }
0x2d: {  	s3 =	simm.s32 $0x108;
	s8 =	sld [smem:$0x3FB2]  }
0x2e: {  	s3 =	simm.s32 @!p0 $0x1082;
	s9 =	sld [smem:$0x3FB3]  }
0x2f: {  	lr =	sadd.s32 s0, s3;
	s0 =	sld [smem:$0x3FAA]  }
0x30: {  	s3 =	sld [smem:$0x3FAD]  }
0x31: {  	[smem:$0x3FB6] =	sst s10  }
0x32: {  	s10 =	sld [smem:$0x3FB4];
	_ =	sdelay $0x3  }
0x33: {  	p0 =	seq.s32 s10, $0x1;
	s10 =	sld [smem:$0x3FB6];
	_ =	sdelay $0x3  }
0x34: {  	[smem:$0x3FB6] =	sst s10  }
0x35: {  	s10 =	sld [smem:$0x3FB5];
	_ =	sdelay $0x3  }
0x36: {  	p1 =	seq.s32 s10, $0x1;
	s10 =	sld [smem:$0x3FB6];
	_ =	sdelay $0x3  }
0x37: {  	[smem:$0x3FB6] =	sst s10  }
0x38: {  	s10 =	sld [smem:$0x3FB7]  }
0x39: {  	_ = 	snop;
	(pc) =	sbr.ind lr, $3  }
0x3a: {  	_ = 	snop  }
0x3b: {  	_ = 	snop  }
0x3c: {  	p2 =	seq.s32 s10, $0x1;
	s10 =	sld [smem:$0x3FB6]  }
0x3d: {  	_ =	shalt  }
0x3e: {  	_ =	shalt  }
0x3f: {  	_ =	shalt  }
0x40: {  	_ =	shalt  }
0x41: {  	_ =	shalt  }
0x42: {  	_ =	shalt  }
0x43: {  	_ =	shalt  }
0x44: {  	_ =	shalt  }
0x45: {  	_ =	shalt  }
0x46: {  	_ =	shalt  }
0x47: {  	_ =	shalt  }
0x48: {  	_ =	shalt  }
0x49: {  	_ =	shalt  }
0x4a: {  	_ =	shalt  }
0x4b: {  	_ =	shalt  }
0x4c: {  	_ =	shalt  }
0x4d: {  	_ =	shalt  }
0x4e: {  	_ =	shalt  }
0x4f: {  	_ =	shalt  }
0x50: {  	_ =	shalt  }
0x51: {  	_ =	shalt  }
0x52: {  	_ =	shalt  }
0x53: {  	_ =	shalt  }
0x54: {  	_ =	shalt  }
0x55: {  	_ =	shalt  }
0x56: {  	_ =	shalt  }
0x57: {  	_ =	shalt  }
0x58: {  	_ =	shalt  }
0x59: {  	_ =	shalt  }
0x5a: {  	_ =	shalt  }
0x5b: {  	_ =	shalt  }
0x5c: {  	_ =	shalt  }
0x5d: {  	_ =	shalt  }
0x5e: {  	_ =	shalt  }
0x5f: {  	_ =	shalt  }
0x60: {  	_ =	shalt  }
0x61: {  	_ =	shalt  }
0x62: {  	_ =	shalt  }
0x63: {  	_ =	shalt  }
0x64: {  	_ =	shalt  }
0x65: {  	_ =	shalt  }
0x66: {  	_ =	shalt  }
0x67: {  	_ =	shalt  }
0x68: {  	_ =	shalt  }
0x69: {  	_ =	shalt  }
0x6a: {  	_ =	shalt  }
0x6b: {  	_ =	shalt  }
0x6c: {  	_ =	shalt  }
0x6d: {  	_ =	shalt  }
0x6e: {  	_ =	shalt  }
0x6f: {  	_ =	shalt  }
0x70: {  	_ =	shalt  }
0x71: {  	_ =	shalt  }
0x72: {  	_ =	shalt  }
0x73: {  	_ =	shalt  }
0x74: {  	_ =	shalt  }
0x75: {  	_ =	shalt  }
0x76: {  	_ =	shalt  }
0x77: {  	_ =	shalt  }
0x78: {  	_ =	shalt  }
0x79: {  	_ =	shalt  }
0x7a: {  	_ =	shalt  }
0x7b: {  	_ =	shalt  }
0x7c: {  	_ =	shalt  }
0x7d: {  	_ =	shalt  }
0x7e: {  	_ =	shalt  }
0x7f: {  	_ =	shalt  }
0x80: {  	_ =	shalt  }
0x81: {  	_ =	shalt  }
0x82: {  	_ =	shalt  }
0x83: {  	_ =	shalt  }
0x84: {  	_ =	shalt  }
0x85: {  	_ =	shalt  }
0x86: {  	_ =	shalt  }
0x87: {  	_ =	shalt  }
.Lfunc_end0:
.L_simem_size_0:
called_computation_lowered:
.L_overlay_start_0:
0x88: {  	s2 =	sld [smem:$0x3FD9]  }
0x89: {  	s3 =	sld [smem:$0x3FFE];
	_ =	sdelay $0x1  }
0x8a: {  	s1 =	srdreg.scid  }
0x8b: {  	s0 =	sand.u32 $0x1, s1  }
0x8c: {  	s17 =	sshll.u32 s0, $0xA;
	s2 =	sadd.s32 s3, s2  }
0x8d: {  	s2 =	sadd.s32 s2, s17  }
0x8e: {  	[smem:$0x3FC2] =	sst s2  }
0x8f: {  	_ = 	snop  }
0x90: {  	s2 =	sld [smem:$0x3FC7]  }
0x91: {  	s18 =	sld [smem:$0x3FC6]  }
0x92: {  	s4 =	sld [smem:$0x3FC4];
	(tm) =	ssettm $0x1  }
0x93: {  	s5 =	sld [smem:$0x3FFB];
	_ =	sdelay $0x3  }
0x94: {  	_ =	strace s5  }
0x95: {  	s5 =	sld [smem:$0x3FFC];
	_ =	sdelay $0x3  }
0x96: {  	_ =	strace s5  }
0x97: {  	s5 =	sld [smem:$0x3FFD];
	_ =	sdelay $0x3  }
0x98: {  	_ =	strace s5  }
0x99: {  	_ =	strace $0x8FFFFFFF  }
0x9a: {  	s19 =	sld [smem:$0x3FDB];
	_ =	sdelay $0x1  }
0x9b: {  	s6 =	simm.s32 $_scs_section_size  }
0x9c: {  	s7 =	simm.s32 $_size__tile_overlayer_lowered;
	s8 =	simm.s32 $_tile_overlayer_lowered  }
0x9d: {  	s22 =	simm.s32 $0x1BFF;
	s21 =	sshll.u32 s8, $0x1;
	s5 =	sadd.s32 s6, s19  }
0x9e: {  	s9 =	simm.s32 $0x0;
	s20 =	sshll.u32 s7, $0x1;
	s7 =	sadd.s32 s21, s5  }
0x9f: {  	[timem:s9], [sflag:s22] =	dma.local [hbm:s7], s20  }
0xa0: {  	_ =	swait.ge [sflag:s22], s20  }
0xa1: {  	s6 =	ssub.s32 $0x0, s20;
	[sflag:s22] =	ssyncset.done $0x0  }
0xa2: {  	[sflag:s22] =	ssyncadd.s32 s6;
	_ =	sdelay $0x1  }
0xa3: {  	s23 =	simm.s32 $0x1B8B  }
0xa4: {  	_ =	swait.ge [sflag:s23], $0x1  }
0xa5: {  	[sflag:s23] =	ssyncset.done $0x0  }
0xa6: {  	s25 =	simm.s32 $0x1B8E;
	s24 =	sld [smem:$0x3FFE];
	[sflag:s23] =	ssyncadd.s32 $0xFFFFFFFF  }
0xa7: {  	s26 =	simm.s32 $execute0_lowered;
	[smem:$0x3FD2] =	sst s25  }
0xa8: {  	s7 =	sshll.u32 s26, $0x1;
	_ =	strace $0x80000046;
	[dreg:$0x1] =	wrdreg $0xFFFFFFFF  }
0xa9: {  	s28 =	simm.s32 $_size_execute0_lowered;
	s5 =	sadd.s32 s5, s7;
	[dreg:$0x0] =	wrdreg $0x0  }
0xaa: {  	s7 =	sshll.u32 s28, $0x1;
	[dreg:$0x2] =	wrdreg s5  }
0xab: {  	[dreg:$0x3] =	wrdreg s7  }
0xac: {  	[dreg:$0x4] =	wrdreg $0xC0  }
0xad: {  	_ =	task [dreg:s9], $0x5FFFF  }
0xae: {  	[dreg:$0x1] =	wrdreg $0xFFFFFFFF  }
0xaf: {  	[dreg:$0x0] =	wrdreg $0x60  }
0xb0: {  	[dreg:$0x2] =	wrdreg s24  }
0xb1: {  	[dreg:$0x3] =	wrdreg s2  }
0xb2: {  	[dreg:$0x4] =	wrdreg s18  }
0xb3: {  	[dreg:$0x5] =	wrdreg s4  }
0xb4: {  	[dreg:$0x6] =	wrdreg $0x9  }
0xb5: {  	_ =	task.clear_ibuf [dreg:s9], $0x7FFFF;
	_ =	strace $0x90000046  }
0xb6: {  	s29 =	simm.s32 $0x9;
	_ =	strace $0x80000048  }
0xb7: {  	_ =	swait.ge [sflag:s29], $0x1  }
0xb8: {  	[sflag:s29] =	ssyncadd.s32 $0xFFFFFFFF  }
0xb9: {  	_ =	strace $0x90000048  }
0xba: {  	_ =	sfence  }
0xbb: {  	s30 =	sld [smem:$0x0];
	_ =	sdelay $0x2  }
0xbc: {  	s31 =	sshll.u32 s1, $0xD;
	s1 =	sshrl.u32 s1, $0x2  }
0xbd: {  	s3 =	sand.u32 $0x4000, s31;
	s1 =	sadd.s32 s1, s30  }
0xbe: {  	s0 =	sor.u32 s3, s0;
	s1 =	sshll.u32 s1, $0x11  }
0xbf: {  	s0 =	sor.u32 s1, s0  }
0xc0: {  	s0 =	sadd.s32 $0x8F2B, s0  }
0xc1: {  	[sflag:s0] =	ssyncadd.remote.s32 $0x1  }
0xc2: {  	_ =	sfence.sel $0xFFFF  }
0xc3: {  	[dreg:$0x0] =	wrdreg $0xFFFFFFFF;
	(pc) =	sbr.abs _section_cstart, $3  }
0xc4: {  	[dreg:$0x1] =	wrdreg $0xFFFFFFFF  }
0xc5: {  	_ =	task.clear_ibuf [dreg:s9], $0x2FFFF;
	_ =	strace $0x9FFFFFFF  }
0xc6: {  	(tm) =	ssettm $0x7FFFFFFF  }
0xc7: {  	_ =	shalt  }
tec
execute0_lowered:
.L_overlay_start_1:
0x0: {  	(tag) =	ssettag $0x1  }
0x1: {  	s2 =	stileid.u32  }
0x2: {  	s7 =	rddreg [dreg:$0x0];
	p0 =	sgt.u32 s2, $0x7  }
.Ltmp0:
0x3: {  	s1 =	rddreg [dreg:$0x1];
	(pc) =	sbr.rel @p0 .LBB2_11-.Ltmp0, $4  }
0x4: {  	s3 =	rddreg [dreg:$0x2]  }
0x5: {  	s4 =	rddreg [dreg:$0x3];
	s5 =	simm.s32 $0x0  }
0x6: {  	[smem:$0x7FF] =	sst s5  }
0x7: {  	s0 =	rddreg [dreg:$0x4];
	_ =	strace $0x80000047  }
0x8: {  	s6 =	srdreg.scid;
	s29 =	sshll.u32 s2, $0x1  }
0x9: {  	s13 =	sadd.s32 $0xC0E00, s7;
	s17 =	simm.s32 $0x9880;
	s18 =	simm.s32 $0x9900  }
0xa: {  	s19 =	simm.s32 $0x800;
	s20 =	simm.s32 $0x9980;
	s10 =	sand.u32 $0x1, s6  }
0xb: {  	s21 =	simm.s32 $0x0;
	s11 =	sor.u32 s10, s29;
	s15 =	ssub.s32 $0x2, s10  }
0xc: {  	s6 =	sshll.u32 s11, $0xE;
	s8 =	sshll.u32 s11, $0x1;
	s30 =	sshrl.u32 s15, $0x1  }
0xd: {  	v0 =	vlaneseq.u32;
	s16 =	sshll.u32 s11, $0x8;
	s12 =	sadd.s32 s6, s7;
	s6 =	sadd.s32 $0xC1E00, s7  }
0xe: {  	vm1 =	vmmov $0x1;
	v2 =	vor.u32 $0x200, v0;
	s14 =	sadd.s32 s8, s7;
	s31 =	ssub.s32 s15, s30;
	s15 =	simm.s32 $0x8800  }
0xf: {  	v3 =	vadd.s32 $0x1FF, v0;
	v4 =	vmul.u32 $0x40, v0;
	v5 =	vor.u32 $0x400, v0;
	s7 =	sadd.s32 $0x80E00, s12;
	s8 =	sadd.s32 $0x81E00, s12;
	s9 =	sadd.s32 $0x82E00, s12  }
0x10: {  	v6 =	vadd.s32 $0x3FF, v0;
	v7 =	vor.u32 $0x600, v0;
	v1 =	vmov s11;
	s10 =	sadd.s32 $0x83E00, s12;
	s11 =	sadd.s32 $0xC2000, s14;
	s12 =	sadd.s32 s13, s16  }
0x11: {  	v8 =	vadd.s32 $0x5FF, v0;
	vm0 =	veq.s32 v1, v0;
	v1 =	vadd.s32 $0xFFFFFFFF, v0;
	s13 =	smax.u32 s31, $0x1;
	s14 =	simm.s32 $0x1;
	s16 =	simm.s32 $0x9800  }
.LBB2_2:
0x12: {  	s22 =	simm.s32 $0x0  }
0x13: {  	[tilespmem:s22], [sflag:$0x1] =	stream.linear.gather [hbm4b:s12+s22], $0x800, $0x38;
	[tilespmem:$0x9A00] =	vst v63  }
0x14: {  	_ =	swait.ge [sflag:s14], $0x800  }
0x15: {  	[sflag:s14] =	ssyncset.done $0x0  }
0x16: {  	[sflag:s14] =	ssyncadd.s32 $0xFFFFF800  }
0x17: {  	[tilespmem:s15], [sflag:$0x1] =	stream.linear.gather [hbm4b:s6+s22], $0x1000, $0x38;
	[tilespmem:$0x9A00] =	vst v63  }
0x18: {  	_ =	swait.ge [sflag:s14], $0x1000  }
0x19: {  	[sflag:s14] =	ssyncset.done $0x0  }
0x1a: {  	[sflag:s14] =	ssyncadd.s32 $0xFFFFF000  }
0x1b: {  	[tilespmem:s16], [sflag:$0x1] =	stream.linear.gather [hbm4b:s1+s22], $0x40, $0x38;
	[tilespmem:$0x9A00] =	vst v63  }
0x1c: {  	_ =	swait.ge [sflag:s14], $0x40  }
0x1d: {  	[sflag:s14] =	ssyncset.done $0x0  }
0x1e: {  	[sflag:s14] =	ssyncadd.s32 $0xFFFFFFC0  }
0x1f: {  	[tilespmem:s17], [sflag:$0x1] =	stream.linear.gather [hbm4b:s3+s22], $0x40, $0x38;
	[tilespmem:$0x9A00] =	vst v63  }
0x20: {  	_ =	swait.ge [sflag:s14], $0x40  }
0x21: {  	[sflag:s14] =	ssyncset.done $0x0  }
0x22: {  	[sflag:s14] =	ssyncadd.s32 $0xFFFFFFC0  }
0x23: {  	[tilespmem:s18], [sflag:$0x1] =	stream.linear.gather [hbm4b:s4+s22], $0x80, $0x38;
	[tilespmem:$0x9A00] =	vst v63  }
0x24: {  	_ =	swait.ge [sflag:s14], $0x80  }
0x25: {  	[sflag:s14] =	ssyncset.done $0x0  }
0x26: {  	[sflag:s14] =	ssyncadd.s32 $0xFFFFFF80  }
0x27: {  	v9 =	vld [tilespmem:$0x9900];
	_ =	sdelay $0x4  }
0x28: {  	v9 =	vcvt.s32.f32 v9;
	_ =	sdelay $0x1  }
0x29: {  	v9 =	vnsel vm0, $0x0, v9  }
0x2a: {  	(xrf2) =	vadd.scan.msk.f32 $0xffff, v9;
	_ =	sdelay $0x9  }
0x2b: {  	v9, _, _ =	vpop (xrf2)  }
0x2c: {  	(v2sf) =	vpush v9, $0xF;
	_ =	sdelay $0xd  }
0x2d: {  	v12 =	vor.u32 s22, v0;
	[tilespmem:s19], [sflag:$0x1] =	stream.linear.gather [hbm4b:s7+s22], $0x8000, $0x38;
	v9 =	vadd.s32 s22, v1;
	[tilespmem:$0x9A00] =	vst v63  }
0x2e: {  	vm2 =	vgt.s32 v9, $0x0;
	s26 =	spop (v2sf)  }
0x2f: {  	v9 =	vnsel vm2, $0x0, v9;
	_ =	swait.ge [sflag:s14], $0x8000  }
0x30: {  	[sflag:s14] =	ssyncset.done $0x0  }
0x31: {  	s25 =	simm.s32 $0x10;
	[sflag:s14] =	ssyncadd.s32 $0xFFFF8000  }
0x32: {  	v10 =	vadd.s32 s25, v1;
	v11 =	vld.idx.msk [tilespmem:v12+s5+$0x0], $0xffff  }
0x33: {  	v13 =	vor.u32 s25, v0;
	vm2 =	vgt.s32 v10, $0x0  }
0x34: {  	v14 =	vnsel vm2, $0x0, v10;
	v9 =	vld.idx.msk [tilespmem:v9+s5+$0x0], $0xffff;
	_ =	sdelay $0x1  }
0x35: {  	s23 =	simm.s32 $0x20;
	v10 =	vshll.u32 v12, $0x6  }
0x36: {  	v15 =	vadd.s32 s23, v1;
	v17 =	vadd.s32 v10, v11  }
0x37: {  	vm2 =	vgt.s32 v15, $0x0;
	v16 =	vld.idx.msk [tilespmem:v13+s5+$0x0], $0xffff;
	v10 =	vor.u32 s23, v0  }
0x38: {  	s24 =	simm.s32 $0x30;
	v15 =	vnsel vm2, $0x0, v15;
	v14 =	vld.idx.msk [tilespmem:v14+s5+$0x0], $0xffff;
	v9 =	vshll.u32 v9, $0x6  }
0x39: {  	v19 =	vadd.s32 s24, v1;
	v18 =	vadd.s32 v11, v9  }
0x3a: {  	vm2 =	vgt.s32 v19, $0x0  }
0x3b: {  	v19 =	vnsel vm2, $0x0, v19;
	v9 =	vshll.u32 v13, $0x6;
	v17 =	vld.idx.msk [tilespmem:v17+s19+$0x0], $0xffff  }
0x3c: {  	s26 =	scvt.f32.s32 s26;
	v20 =	vadd.s32 v9, v16;
	v21 =	vld.idx.msk [tilespmem:v10+s5+$0x0], $0xffff  }
0x3d: {  	v24 =	vld.idx.msk [tilespmem:v15+s5+$0x0], $0xffff;
	v14 =	vshll.u32 v14, $0x6;
	v11 =	vor.u32 s24, v0  }
0x3e: {  	v22 =	vmov s22;
	v9 =	vmov s26;
	v16 =	vadd.s32 v16, v14;
	v15 =	vld.idx.msk [tilespmem:v18+s15+$0x0], $0xffff  }
0x3f: {  	v23 =	vimm.f32 $0.0e+00;
	s22 =	simm.s32 $0x40;
	vm2 =	vne.s32 v22, v0;
	vm3 =	vlt.s32 v12, v9  }
0x40: {  	v22 =	vadd.s32 s22, v1;
	v19 =	vld.idx.msk [tilespmem:v19+s5+$0x0], $0xffff;
	v12 =	vshll.u32 v10, $0x6;
	vm2 =	vmand vm2, vm3  }
0x41: {  	v14 =	vld.idx.msk [tilespmem:v20+s19+$0x0], $0xffff;
	v20 =	vnsel vm3, $0x0, v17;
	v17 =	vadd.s32 v12, v21;
	v12 =	vor.u32 s22, v0  }
0x42: {  	s26 =	simm.s32 $0x50;
	v18 =	vld.idx.msk [tilespmem:v11+s5+$0x0], $0xffff;
	vm3 =	vgt.s32 v22, $0x0;
	v20 =	vadd.f32 v20, v23;
	v23 =	vshll.u32 v24, $0x6  }
.LBB2_3:
0x43: {  	p0 =	sne.s32 s26, $0x1F0;
	v24 =	vnsel vm3, $0x0, v22;
	v22 =	vnsel vm2, $0x0, v15;
	v15 =	vld.idx.msk [tilespmem:v16+s15+$0x0], $0xffff;
	v16 =	vadd.s32 v21, v23;
	s28 =	smov.u32 s26;
	s26 =	sadd.s32 $0x10, s26  }
.Ltmp1:
0x44: {  	v21 =	vmov s25;
	s25 =	smov.u32 s23;
	s23 =	smov.u32 s24;
	v20 =	vadd.f32 v22, v20;
	(pc) =	sbr.rel @p0 .LBB2_3-.Ltmp1, $4  }
0x45: {  	vm3 =	vlt.s32 v13, v9;
	v13 =	vmovc v10;
	v10 =	vmovc v11;
	v11 =	vmov v12;
	s24 =	smov.u32 s22;
	vm2 =	vne.s32 v21, v0;
	s22 =	smov.u32 s28  }
0x46: {  	v25 =	vshll.u32 v10, $0x6;
	vm2 =	vmand vm2, vm3;
	v23 =	vnsel vm3, $0x0, v14;
	v14 =	vld.idx.msk [tilespmem:v17+s19+$0x0], $0xffff  }
0x47: {  	v22 =	vadd.s32 s22, v1;
	v17 =	vadd.s32 v25, v18;
	v20 =	vadd.f32 v23, v20;
	v21 =	vmovc v18;
	v18 =	vld.idx.msk [tilespmem:v12+s5+$0x0], $0xffff  }
0x48: {  	vm3 =	vgt.s32 v22, $0x0;
	v12 =	vor.u32 s22, v0;
	v23 =	vshll.u32 v19, $0x6;
	v19 =	vld.idx.msk [tilespmem:v24+s5+$0x0], $0xffff  }
0x49: {  	v22 =	vnsel vm3, $0x0, v22;
	_ =	sdelay $0x3  }
0x4a: {  	v24 =	vld.idx.msk [tilespmem:v12+s5+$0x0], $0xffff  }
0x4b: {  	v22 =	vld.idx.msk [tilespmem:v22+s5+$0x0], $0xffff;
	_ =	sdelay $0x1  }
0x4c: {  	v21 =	vadd.s32 v21, v23;
	v23 =	vshll.u32 v11, $0x6  }
0x4d: {  	v23 =	vadd.s32 v23, v18;
	v19 =	vshll.u32 v19, $0x6  }
0x4e: {  	v18 =	vadd.s32 v18, v19;
	v19 =	vshll.u32 v12, $0x6  }
0x4f: {  	v16 =	vld.idx.msk [tilespmem:v16+s15+$0x0], $0xffff;
	v19 =	vadd.s32 v19, v24;
	v22 =	vshll.u32 v22, $0x6  }
0x50: {  	v17 =	vld.idx.msk [tilespmem:v17+s19+$0x0], $0xffff;
	v22 =	vadd.s32 v24, v22  }
0x51: {  	v21 =	vld.idx.msk [tilespmem:v21+s15+$0x0], $0xffff  }
0x52: {  	v15 =	vnsel vm2, $0x0, v15;
	v23 =	vld.idx.msk [tilespmem:v23+s19+$0x0], $0xffff  }
0x53: {  	v62 =	vmov s25;
	vm2 =	vlt.s32 v13, v9;
	s29 =	simm.s32 $0x0;
	v15 =	vadd.f32 v15, v20;
	v18 =	vld.idx.msk [tilespmem:v18+s15+$0x0], $0xffff  }
0x54: {  	vm3 =	vne.s32 v62, v0;
	v63 =	vor.u32 s29, v2;
	v14 =	vnsel vm2, $0x0, v14;
	v13 =	vld.idx.msk [tilespmem:v19+s19+$0x0], $0xffff  }
0x55: {  	vm2 =	vmand vm3, vm2;
	v14 =	vadd.f32 v14, v15;
	v19 =	vld.idx.msk [tilespmem:v22+s15+$0x0], $0xffff;
	[tilespmem:s19], [sflag:$0x1] =	stream.linear.gather [hbm4b:s8+s29], $0x8000, $0x38  }
0x56: {  	v15 =	vnsel vm2, $0x0, v16;
	v16 =	vadd.s32 s29, v3;
	_ =	swait.ge [sflag:s14], $0x8000  }
0x57: {  	v20 =	vmov s23;
	vm2 =	vlt.s32 v10, v9;
	v14 =	vadd.f32 v15, v14;
	[sflag:s14] =	ssyncset.done $0x0  }
0x58: {  	s30 =	simm.s32 $0x10;
	vm3 =	vne.s32 v20, v0;
	v20 =	vmov s24;
	v15 =	vnsel vm2, $0x0, v17;
	[sflag:s14] =	ssyncadd.s32 $0xFFFF8000  }
0x59: {  	v10 =	vor.u32 s30, v2;
	vm2 =	vmand vm3, vm2;
	v14 =	vadd.f32 v15, v14;
	v15 =	vld.idx.msk [tilespmem:v63+s5+$0x0], $0xffff  }
0x5a: {  	vm3 =	vne.s32 v20, v0;
	v17 =	vnsel vm2, $0x0, v21  }
0x5b: {  	v20 =	vadd.s32 s30, v3;
	v14 =	vadd.f32 v17, v14;
	v17 =	vmov s29;
	v16 =	vld.idx.msk [tilespmem:v16+s5+$0x0], $0xffff  }
0x5c: {  	vm2 =	vlt.s32 v11, v9;
	v11 =	vshll.u32 v17, $0x6  }
0x5d: {  	v17 =	vnsel vm2, $0x0, v23;
	v11 =	vor.u32 v4, v11  }
0x5e: {  	s31 =	simm.s32 $0x20;
	v14 =	vadd.f32 v17, v14;
	v21 =	vld.idx.msk [tilespmem:v10+s5+$0x0], $0xffff;
	v17 =	vadd.s32 v11, v15  }
0x5f: {  	vm2 =	vmand vm3, vm2;
	v23 =	vadd.s32 s31, v3;
	v11 =	vor.u32 s31, v2  }
0x60: {  	v18 =	vnsel vm2, $0x0, v18;
	v22 =	vmov s30;
	v25 =	vld.idx.msk [tilespmem:v20+s5+$0x0], $0xffff;
	v16 =	vshll.u32 v16, $0x6  }
0x61: {  	vm2 =	vlt.s32 v12, v9;
	v22 =	vshll.u32 v22, $0x6;
	v15 =	vadd.s32 v15, v16  }
0x62: {  	v14 =	vadd.f32 v18, v14;
	v18 =	vmov s22;
	v16 =	vor.u32 v4, v22  }
0x63: {  	s22 =	simm.s32 $0x30;
	v13 =	vnsel vm2, $0x0, v13;
	vm3 =	vne.s32 v18, v0;
	v16 =	vadd.s32 v16, v21;
	v18 =	vld.idx.msk [tilespmem:v17+s19+$0x0], $0xffff  }
0x64: {  	v26 =	vadd.s32 s22, v3;
	vm2 =	vmand vm3, vm2;
	v13 =	vadd.f32 v13, v14;
	v20 =	vld.idx.msk [tilespmem:v11+s5+$0x0], $0xffff  }
0x65: {  	v12 =	vor.u32 s22, v2;
	v14 =	vnsel vm2, $0x0, v19;
	v22 =	vld.idx.msk [tilespmem:v23+s5+$0x0], $0xffff;
	v17 =	vshll.u32 v25, $0x6  }
0x66: {  	v13 =	vadd.f32 v14, v13;
	v14 =	vmov s31;
	v15 =	vld.idx.msk [tilespmem:v15+s15+$0x0], $0xffff;
	v17 =	vadd.s32 v21, v17  }
0x67: {  	v19 =	vshll.u32 v14, $0x6  }
0x68: {  	vm2 =	vlt.s32 v63, v9;
	v14 =	vld.idx.msk [tilespmem:v16+s19+$0x0], $0xffff;
	v16 =	vor.u32 v4, v19  }
0x69: {  	s23 =	simm.s32 $0x40;
	v21 =	vld.idx.msk [tilespmem:v26+s5+$0x0], $0xffff;
	v19 =	vnsel vm2, $0x0, v18;
	v16 =	vadd.s32 v16, v20  }
0x6a: {  	s24 =	simm.s32 $0x50;
	v18 =	vld.idx.msk [tilespmem:v12+s5+$0x0], $0xffff;
	v19 =	vadd.f32 v19, v13;
	v13 =	vor.u32 s23, v2  }
.LBB2_5:
0x6b: {  	p0 =	sne.s32 s24, $0x1F0;
	v23 =	vadd.s32 s23, v3;
	v22 =	vshll.u32 v22, $0x6;
	v24 =	vnsel vm2, $0x0, v15;
	v15 =	vld.idx.msk [tilespmem:v17+s15+$0x0], $0xffff;
	s25 =	smov.u32 s24;
	s24 =	sadd.s32 $0x10, s24  }
.Ltmp2:
0x6c: {  	v25 =	vmov s22;
	s22 =	smov.u32 s23;
	v17 =	vadd.s32 v20, v22;
	v19 =	vadd.f32 v24, v19;
	s23 =	smov.u32 s25;
	(pc) =	sbr.rel @p0 .LBB2_5-.Ltmp2, $4  }
0x6d: {  	vm2 =	vlt.s32 v10, v9;
	v10 =	vmovc v11;
	v11 =	vmovc v12;
	v12 =	vmov v13;
	v22 =	vshll.u32 v25, $0x6  }
0x6e: {  	v24 =	vor.u32 v4, v22;
	v25 =	vnsel vm2, $0x0, v14;
	v14 =	vld.idx.msk [tilespmem:v16+s19+$0x0], $0xffff  }
0x6f: {  	v16 =	vadd.s32 v24, v18;
	v19 =	vadd.f32 v25, v19;
	v20 =	vmov v18;
	v18 =	vld.idx.msk [tilespmem:v13+s5+$0x0], $0xffff  }
0x70: {  	v13 =	vor.u32 s23, v2;
	v22 =	vmov v21;
	v21 =	vld.idx.msk [tilespmem:v23+s5+$0x0], $0xffff  }
0x71: {  	v23 =	vadd.s32 s23, v3;
	_ =	sdelay $0x4  }
0x72: {  	v23 =	vld.idx.msk [tilespmem:v23+s5+$0x0], $0xffff  }
0x73: {  	v24 =	vld.idx.msk [tilespmem:v13+s5+$0x0], $0xffff;
	v25 =	vmov s22  }
0x74: {  	v22 =	vshll.u32 v22, $0x6;
	v25 =	vshll.u32 v25, $0x6  }
0x75: {  	v20 =	vadd.s32 v20, v22;
	v22 =	vor.u32 v4, v25  }
0x76: {  	v61 =	vmov s23;
	v22 =	vadd.s32 v22, v18;
	v21 =	vshll.u32 v21, $0x6  }
0x77: {  	v25 =	vshll.u32 v61, $0x6;
	v18 =	vadd.s32 v18, v21;
	v23 =	vshll.u32 v23, $0x6  }
0x78: {  	v17 =	vld.idx.msk [tilespmem:v17+s15+$0x0], $0xffff;
	v21 =	vor.u32 v4, v25;
	v23 =	vadd.s32 v24, v23  }
0x79: {  	v16 =	vld.idx.msk [tilespmem:v16+s19+$0x0], $0xffff;
	v21 =	vadd.s32 v21, v24  }
0x7a: {  	v20 =	vld.idx.msk [tilespmem:v20+s15+$0x0], $0xffff  }
0x7b: {  	v22 =	vld.idx.msk [tilespmem:v22+s19+$0x0], $0xffff  }
0x7c: {  	v15 =	vnsel vm2, $0x0, v15;
	s30 =	simm.s32 $0x0;
	v18 =	vld.idx.msk [tilespmem:v18+s15+$0x0], $0xffff  }
0x7d: {  	vm2 =	vlt.s32 v10, v9;
	v15 =	vadd.f32 v15, v19;
	v19 =	vld.idx.msk [tilespmem:v23+s15+$0x0], $0xffff;
	v23 =	vor.u32 s30, v5  }
0x7e: {  	v10 =	vnsel vm2, $0x0, v14;
	v21 =	vld.idx.msk [tilespmem:v21+s19+$0x0], $0xffff;
	[tilespmem:s19], [sflag:$0x1] =	stream.linear.gather [hbm4b:s9+s30], $0x8000, $0x38  }
0x7f: {  	v14 =	vadd.s32 s30, v6;
	v10 =	vadd.f32 v10, v15;
	_ =	swait.ge [sflag:s14], $0x8000  }
0x80: {  	v15 =	vnsel vm2, $0x0, v17;
	[sflag:s14] =	ssyncset.done $0x0  }
0x81: {  	s31 =	simm.s32 $0x10;
	vm2 =	vlt.s32 v11, v9;
	v15 =	vadd.f32 v15, v10;
	[sflag:s14] =	ssyncadd.s32 $0xFFFF8000  }
0x82: {  	v10 =	vor.u32 s31, v5;
	v11 =	vnsel vm2, $0x0, v16;
	v16 =	vld.idx.msk [tilespmem:v23+s5+$0x0], $0xffff  }
0x83: {  	v17 =	vmov s30;
	v11 =	vadd.f32 v11, v15  }
0x84: {  	v15 =	vnsel vm2, $0x0, v20;
	vm2 =	vlt.s32 v12, v9;
	v12 =	vadd.s32 s31, v6;
	v14 =	vld.idx.msk [tilespmem:v14+s5+$0x0], $0xffff  }
0x85: {  	v11 =	vadd.f32 v15, v11;
	v15 =	vshll.u32 v17, $0x6  }
0x86: {  	s24 =	simm.s32 $0x20;
	v15 =	vor.u32 v4, v15  }
0x87: {  	v62 =	vadd.s32 s24, v6;
	v20 =	vnsel vm2, $0x0, v22;
	v17 =	vld.idx.msk [tilespmem:v10+s5+$0x0], $0xffff;
	v15 =	vadd.s32 v15, v16  }
0x88: {  	v22 =	vmov s31;
	v20 =	vadd.f32 v20, v11;
	v11 =	vor.u32 s24, v5  }
0x89: {  	v18 =	vnsel vm2, $0x0, v18;
	vm2 =	vlt.s32 v13, v9;
	v13 =	vld.idx.msk [tilespmem:v12+s5+$0x0], $0xffff;
	v14 =	vshll.u32 v14, $0x6  }
0x8a: {  	v22 =	vshll.u32 v22, $0x6;
	v14 =	vadd.s32 v16, v14  }
0x8b: {  	v18 =	vadd.f32 v18, v20;
	v16 =	vor.u32 v4, v22  }
0x8c: {  	s22 =	simm.s32 $0x30;
	v20 =	vnsel vm2, $0x0, v21;
	v16 =	vadd.s32 v16, v17;
	v21 =	vld.idx.msk [tilespmem:v15+s19+$0x0], $0xffff  }
0x8d: {  	v12 =	vor.u32 s22, v5;
	v15 =	vadd.f32 v20, v18;
	v20 =	vld.idx.msk [tilespmem:v11+s5+$0x0], $0xffff  }
0x8e: {  	v63 =	vadd.s32 s22, v6;
	v13 =	vshll.u32 v13, $0x6;
	v22 =	vld.idx.msk [tilespmem:v62+s5+$0x0], $0xffff;
	v18 =	vnsel vm2, $0x0, v19  }
0x8f: {  	v17 =	vadd.s32 v17, v13;
	v19 =	vadd.f32 v18, v15;
	v15 =	vld.idx.msk [tilespmem:v14+s15+$0x0], $0xffff;
	v14 =	vmov s24  }
0x90: {  	v18 =	vshll.u32 v14, $0x6  }
0x91: {  	vm2 =	vlt.s32 v23, v9;
	v14 =	vld.idx.msk [tilespmem:v16+s19+$0x0], $0xffff;
	v13 =	vor.u32 v4, v18  }
0x92: {  	s23 =	simm.s32 $0x40;
	v18 =	vld.idx.msk [tilespmem:v12+s5+$0x0], $0xffff;
	v21 =	vnsel vm2, $0x0, v21;
	v16 =	vadd.s32 v13, v20  }
0x93: {  	s24 =	simm.s32 $0x50;
	v13 =	vor.u32 s23, v5;
	v19 =	vadd.f32 v21, v19;
	v21 =	vld.idx.msk [tilespmem:v63+s5+$0x0], $0xffff  }
.LBB2_7:
0x94: {  	p0 =	sne.s32 s24, $0x1F0;
	v23 =	vadd.s32 s23, v6;
	v22 =	vshll.u32 v22, $0x6;
	v24 =	vnsel vm2, $0x0, v15;
	v15 =	vld.idx.msk [tilespmem:v17+s15+$0x0], $0xffff;
	s25 =	smov.u32 s24;
	s24 =	sadd.s32 $0x10, s24  }
.Ltmp3:
0x95: {  	v25 =	vmov s22;
	s22 =	smov.u32 s23;
	v17 =	vadd.s32 v20, v22;
	v19 =	vadd.f32 v24, v19;
	s23 =	smov.u32 s25;
	(pc) =	sbr.rel @p0 .LBB2_7-.Ltmp3, $4  }
0x96: {  	vm2 =	vlt.s32 v10, v9;
	v10 =	vmovc v11;
	v11 =	vmovc v12;
	v12 =	vmov v13;
	v22 =	vshll.u32 v25, $0x6  }
0x97: {  	v24 =	vor.u32 v4, v22;
	v25 =	vnsel vm2, $0x0, v14;
	v14 =	vld.idx.msk [tilespmem:v16+s19+$0x0], $0xffff  }
0x98: {  	v16 =	vadd.s32 v24, v18;
	v19 =	vadd.f32 v25, v19;
	v20 =	vmov v18;
	v18 =	vld.idx.msk [tilespmem:v13+s5+$0x0], $0xffff  }
0x99: {  	v13 =	vor.u32 s23, v5;
	v22 =	vmov v21;
	v21 =	vld.idx.msk [tilespmem:v23+s5+$0x0], $0xffff  }
0x9a: {  	v23 =	vadd.s32 s23, v6;
	_ =	sdelay $0x4  }
0x9b: {  	v23 =	vld.idx.msk [tilespmem:v23+s5+$0x0], $0xffff  }
0x9c: {  	v24 =	vld.idx.msk [tilespmem:v13+s5+$0x0], $0xffff;
	v25 =	vmov s22  }
0x9d: {  	v22 =	vshll.u32 v22, $0x6;
	v25 =	vshll.u32 v25, $0x6  }
0x9e: {  	v20 =	vadd.s32 v20, v22;
	v22 =	vor.u32 v4, v25  }
0x9f: {  	v61 =	vmov s23;
	v22 =	vadd.s32 v22, v18;
	v21 =	vshll.u32 v21, $0x6  }
0xa0: {  	v25 =	vshll.u32 v61, $0x6;
	v18 =	vadd.s32 v18, v21;
	v23 =	vshll.u32 v23, $0x6  }
0xa1: {  	v17 =	vld.idx.msk [tilespmem:v17+s15+$0x0], $0xffff;
	v21 =	vor.u32 v4, v25;
	v23 =	vadd.s32 v24, v23  }
0xa2: {  	v16 =	vld.idx.msk [tilespmem:v16+s19+$0x0], $0xffff;
	v21 =	vadd.s32 v21, v24  }
0xa3: {  	v20 =	vld.idx.msk [tilespmem:v20+s15+$0x0], $0xffff  }
0xa4: {  	v15 =	vnsel vm2, $0x0, v15;
	v22 =	vld.idx.msk [tilespmem:v22+s19+$0x0], $0xffff  }
0xa5: {  	s30 =	simm.s32 $0x0;
	vm2 =	vlt.s32 v10, v9;
	v15 =	vadd.f32 v15, v19;
	v18 =	vld.idx.msk [tilespmem:v18+s15+$0x0], $0xffff  }
0xa6: {  	v10 =	vnsel vm2, $0x0, v14;
	v19 =	vld.idx.msk [tilespmem:v23+s15+$0x0], $0xffff;
	v23 =	vor.u32 s30, v7  }
0xa7: {  	v14 =	vadd.s32 s30, v8;
	v10 =	vadd.f32 v10, v15;
	v21 =	vld.idx.msk [tilespmem:v21+s19+$0x0], $0xffff;
	[tilespmem:s19], [sflag:$0x1] =	stream.linear.gather [hbm4b:s10+s30], $0x8000, $0x38  }
0xa8: {  	v15 =	vnsel vm2, $0x0, v17;
	_ =	swait.ge [sflag:s14], $0x8000  }
0xa9: {  	s31 =	simm.s32 $0x10;
	vm2 =	vlt.s32 v11, v9;
	v15 =	vadd.f32 v15, v10;
	[sflag:s14] =	ssyncset.done $0x0  }
0xaa: {  	v10 =	vor.u32 s31, v7;
	v11 =	vnsel vm2, $0x0, v16;
	[sflag:s14] =	ssyncadd.s32 $0xFFFF8000  }
0xab: {  	v11 =	vadd.f32 v11, v15;
	v16 =	vld.idx.msk [tilespmem:v23+s5+$0x0], $0xffff  }
0xac: {  	v15 =	vnsel vm2, $0x0, v20;
	vm2 =	vlt.s32 v12, v9;
	v12 =	vadd.s32 s31, v8;
	v14 =	vld.idx.msk [tilespmem:v14+s5+$0x0], $0xffff  }
0xad: {  	v17 =	vmov s30;
	v11 =	vadd.f32 v15, v11  }
0xae: {  	s24 =	simm.s32 $0x20;
	v15 =	vshll.u32 v17, $0x6;
	v20 =	vnsel vm2, $0x0, v22  }
0xaf: {  	v15 =	vor.u32 v4, v15;
	v20 =	vadd.f32 v20, v11;
	v11 =	vor.u32 s24, v7;
	v17 =	vld.idx.msk [tilespmem:v10+s5+$0x0], $0xffff  }
0xb0: {  	v62 =	vadd.s32 s24, v8;
	v22 =	vmov s31;
	v15 =	vadd.s32 v15, v16  }
0xb1: {  	v18 =	vnsel vm2, $0x0, v18;
	vm2 =	vlt.s32 v13, v9;
	v13 =	vld.idx.msk [tilespmem:v12+s5+$0x0], $0xffff;
	v14 =	vshll.u32 v14, $0x6  }
0xb2: {  	v22 =	vshll.u32 v22, $0x6;
	v14 =	vadd.s32 v16, v14  }
0xb3: {  	v18 =	vadd.f32 v18, v20;
	v16 =	vor.u32 v4, v22  }
0xb4: {  	s22 =	simm.s32 $0x30;
	v20 =	vld.idx.msk [tilespmem:v11+s5+$0x0], $0xffff;
	v63 =	vadd.s32 v16, v17;
	v16 =	vnsel vm2, $0x0, v21  }
0xb5: {  	v12 =	vor.u32 s22, v7;
	v16 =	vadd.f32 v16, v18;
	v15 =	vld.idx.msk [tilespmem:v15+s19+$0x0], $0xffff  }
0xb6: {  	v26 =	vadd.s32 s22, v8;
	v13 =	vshll.u32 v13, $0x6;
	v22 =	vld.idx.msk [tilespmem:v62+s5+$0x0], $0xffff;
	v18 =	vnsel vm2, $0x0, v19  }
0xb7: {  	v19 =	vadd.s32 v17, v13;
	v21 =	vadd.f32 v18, v16;
	v16 =	vld.idx.msk [tilespmem:v14+s15+$0x0], $0xffff;
	v14 =	vmov s24  }
0xb8: {  	v18 =	vshll.u32 v14, $0x6  }
0xb9: {  	vm2 =	vlt.s32 v23, v9;
	v14 =	vld.idx.msk [tilespmem:v63+s19+$0x0], $0xffff;
	v13 =	vor.u32 v4, v18  }
0xba: {  	s23 =	simm.s32 $0x40;
	v18 =	vadd.s32 v13, v20;
	v17 =	vnsel vm2, $0x0, v15;
	v15 =	vld.idx.msk [tilespmem:v12+s5+$0x0], $0xffff  }
0xbb: {  	s24 =	simm.s32 $0x50;
	v13 =	vor.u32 s23, v7;
	v21 =	vadd.f32 v17, v21;
	v17 =	vld.idx.msk [tilespmem:v26+s5+$0x0], $0xffff  }
.LBB2_9:
0xbc: {  	p0 =	sne.s32 s24, $0x1F0;
	v23 =	vadd.s32 s23, v8;
	v22 =	vshll.u32 v22, $0x6;
	v24 =	vnsel vm2, $0x0, v16;
	v16 =	vld.idx.msk [tilespmem:v19+s15+$0x0], $0xffff;
	s25 =	smov.u32 s24;
	s24 =	sadd.s32 $0x10, s24  }
.Ltmp4:
0xbd: {  	v25 =	vmov s22;
	s22 =	smov.u32 s23;
	v19 =	vadd.s32 v20, v22;
	v24 =	vadd.f32 v24, v21;
	s23 =	smov.u32 s25;
	(pc) =	sbr.rel @p0 .LBB2_9-.Ltmp4, $4  }
0xbe: {  	vm2 =	vlt.s32 v10, v9;
	v10 =	vmovc v11;
	v11 =	vmovc v12;
	v12 =	vmov v13;
	v21 =	vshll.u32 v25, $0x6  }
0xbf: {  	v21 =	vor.u32 v4, v21;
	v25 =	vnsel vm2, $0x0, v14;
	v14 =	vld.idx.msk [tilespmem:v18+s19+$0x0], $0xffff  }
0xc0: {  	v18 =	vadd.s32 v21, v15;
	v21 =	vadd.f32 v25, v24;
	v20 =	vmov v15;
	v15 =	vld.idx.msk [tilespmem:v13+s5+$0x0], $0xffff  }
0xc1: {  	v13 =	vor.u32 s23, v7;
	v22 =	vmov v17;
	v17 =	vld.idx.msk [tilespmem:v23+s5+$0x0], $0xffff  }
0xc2: {  	_ =	sdelay $0x1  }
0xc3: {  	v23 =	vadd.s32 s23, v8;
	_ =	sdelay $0x1  }
0xc4: {  	v22 =	vshll.u32 v22, $0x6;
	v52 =	vmov s22;
	v24 =	vld.idx.msk [tilespmem:v13+s5+$0x0], $0xffff;
	v25 =	vadd.s32 $0xFFFFFFFF, v9  }
0xc5: {  	v19 =	vld.idx.msk [tilespmem:v19+s15+$0x0], $0xffff;
	v20 =	vadd.s32 v20, v22;
	v22 =	vshll.u32 v52, $0x6  }
0xc6: {  	v58 =	vld.msk [tilespmem:s5+$0x0], $0xffff;
	v22 =	vor.u32 v4, v22  }
0xc7: {  	v16 =	vnsel vm2, $0x0, v16;
	v54 =	vmov s23;
	v53 =	vadd.s32 v22, v15;
	v23 =	vld.idx.msk [tilespmem:v23+s5+$0x0], $0xffff  }
0xc8: {  	v18 =	vld.idx.msk [tilespmem:v18+s19+$0x0], $0xffff;
	vm2 =	vlt.s32 v10, v9;
	v16 =	vadd.f32 v16, v21;
	v10 =	vshll.u32 v17, $0x6  }
0xc9: {  	v56 =	vshll.u32 v54, $0x6;
	v14 =	vnsel vm2, $0x0, v14;
	v10 =	vadd.s32 v15, v10;
	v60 =	vld.idx.msk [tilespmem:v25+s5+$0x0], $0xffff  }
0xca: {  	v57 =	vor.u32 v4, v56;
	v14 =	vadd.f32 v14, v16;
	v55 =	vld.idx.msk [tilespmem:v20+s15+$0x0], $0xffff  }
0xcb: {  	v15 =	vadd.s32 v57, v24;
	v19 =	vnsel vm2, $0x0, v19  }
0xcc: {  	vm2 =	vlt.s32 v11, v9;
	v14 =	vadd.f32 v19, v14;
	v11 =	vld.idx.msk [tilespmem:v53+s19+$0x0], $0xffff;
	v59 =	vshll.u32 v23, $0x6  }
0xcd: {  	v18 =	vnsel vm2, $0x0, v18;
	v16 =	vadd.s32 v24, v59  }
0xce: {  	v14 =	vadd.f32 v18, v14;
	v10 =	vld.idx.msk [tilespmem:v10+s15+$0x0], $0xffff  }
0xcf: {  	v62 =	vld.idx.msk [tilespmem:v58+s16+$0x0], $0xffff;
	v17 =	vnsel vm2, $0x0, v55  }
0xd0: {  	v15 =	vld.idx.msk [tilespmem:v15+s19+$0x0], $0xffff;
	vm2 =	vlt.s32 v12, v9;
	v14 =	vadd.f32 v17, v14  }
0xd1: {  	v11 =	vnsel vm2, $0x0, v11;
	v63 =	vld.idx.msk [tilespmem:v60+s17+$0x0], $0xffff  }
0xd2: {  	v11 =	vadd.f32 v11, v14;
	v61 =	vld.idx.msk [tilespmem:v16+s15+$0x0], $0xffff  }
0xd3: {  	v10 =	vnsel vm2, $0x0, v10  }
0xd4: {  	vm2 =	vlt.s32 v13, v9;
	v10 =	vadd.f32 v10, v11  }
0xd5: {  	v9 =	vnsel vm2, $0x0, v15  }
0xd6: {  	v9 =	vadd.f32 v9, v10  }
0xd7: {  	v11 =	vadd.f32 v63, v62;
	v10 =	vnsel vm2, $0x0, v61  }
0xd8: {  	v9 =	vadd.f32 v10, v9  }
0xd9: {  	v10 =	vnsel vm1, $0x0, v11  }
0xda: {  	v9 =	vadd.f32 v10, v9;
	_ =	sdelay $0x1  }
0xdb: {  	(xrf2) =	vadd.scan.msk.f32 $0xffff, v9;
	_ =	sdelay $0x9  }
0xdc: {  	v9, _, _ =	vpop (xrf2)  }
0xdd: {  	s21 =	sadd.s32 $0x1, s21;
	v9 =	vbroadcast v9, $0xF  }
0xde: {  	p0 =	sne.s32 s21, s13  }
.Ltmp5:
0xdf: {  	[tilespmem:$0x9980] =	vst v9;
	(pc) =	sbr.rel @p0 .LBB2_2-.Ltmp5, $4  }
0xe0: {  	[hbm4b:s11+s5] =	stream.linear.scatter [tilespmem:s20], [sflag:$0x1], $0x10, $0x38;
	[tilespmem:$0x9A00] =	vst v63  }
0xe1: {  	_ =	swait.ge [sflag:s14], $0x10  }
0xe2: {  	[sflag:s14] =	ssyncset.done $0x0  }
0xe3: {  	[sflag:s14] =	ssyncadd.s32 $0xFFFFFFF0  }
.LBB2_11:
0xe4: {  	_ =	sfence.sel $0x180000  }
0xe5: {  	[bflag:$0x0] =	sbarrier.arrive $0xFFFF  }
0xe6: {  	p0 =	sne.s32 s2, $0x0;
	_ =	strace $0x90000047  }
0xe7: {  	s0 =	sadd.s32 @!p0 $0x100000, s0;
	[bflag:$0x2] =	sbarrier.arrive $0xFFFF  }
0xe8: {  	[sflag:s0] =	ssyncadd.tile.s32 @!p0 $0x1;
	_ =	shalt  }
.Lfunc_end2:
_tile_overlayer_lowered:
.L_overlay_start_2:
0xe9: {  	(tag) =	ssettag $0x2  }
0xea: {  	s0 =	rddreg [dreg:$0x0];
	s2 =	stileid.u32  }
0xeb: {  	s1 =	rddreg [dreg:$0x1];
	p0 =	sne.s32 s2, $0x0  }
0xec: {  	s3 =	rddreg [dreg:$0x2];
	[bflag:$0x3] =	sbarrier.arrive $0xFFFF;
	s2 =	simm.s32 @!p0 $0x1C01  }
0xed: {  	[timem:s3], [sflag:s2] =	dma.local @!p0 [hbm:s0], s1  }
0xee: {  	s0 =	simm.s32 @!p0 $0x1  }
0xef: {  	_ =	swait.ge @!p0 [sflag:s0], s1  }
0xf0: {  	s1 =	ssub.s32 @!p0 $0x0, s1;
	[sflag:s0] =	ssyncset.done @!p0 $0x0  }
0xf1: {  	[sflag:s0] =	ssyncadd.s32 @!p0 s1  }
0xf2: {  	[bflag:$0x3] =	sbarrier.arrive $0xFFFF  }
0xf3: {  	_ =	shalt  }

</sc_bundles>
